<compile_context>
chip_gen: v7x
topology: tpu7x:2x2x1
jax: 0.10.2.dev20260603
libtpu: 0.0.44.dev20260713+nightly
codegen_flags: <defaults>
</compile_context>

<pallas_src>
import functools

import jax
import jax.numpy as jnp
from jax import lax
from jax.experimental import pallas as pl
from jax.experimental.pallas import tpu as pltpu
from jax.experimental.pallas import tpu_sc as plsc

N = 10000
E = 320000
DIN = 128
H = 512
C = 4
G = 64

NW = 32
CH = 79
CW = 128
EPAD = NW * CH * CW
STRIPE = 640
NSC = 16 * STRIPE
NPR = 80
NP = NPR * 128
BR = 1024
NB = NP // BR

_mesh = plsc.VectorSubcoreMesh(core_axis_name="c", subcore_axis_name="s")
_f32 = jnp.float32



@functools.partial(
    pl.kernel,
    out_type=jax.ShapeDtypeStruct((2 * NSC,), _f32),
    mesh=_mesh,
    scratch_types=[
        pltpu.VMEM((CH, CW), jnp.int32),
        pltpu.VMEM((CW,), _f32),
        pltpu.VMEM((STRIPE,), _f32),
        pltpu.VMEM_SHARED((NSC,), _f32),
        pltpu.SemaphoreType.DMA,
    ],
)
def _sc_deg(edges_hbm, out_hbm, dst_v, ones_v, zbuf, acc_sh, sem):
    c = lax.axis_index("c")
    s = lax.axis_index("s")
    wid = s * 2 + c
    pltpu.sync_copy(edges_hbm.at[1, wid], dst_v)
    for j in range(CW // 16):
        ones_v[pl.ds(j * 16, 16)] = jnp.ones((16,), _f32)

    def zfill(i, carry):
        zbuf[pl.ds(i * 16, 16)] = jnp.zeros((16,), _f32)
        return carry

    lax.fori_loop(0, STRIPE // 16, zfill, 0)
    pltpu.sync_copy(zbuf, acc_sh.at[pl.ds(s * STRIPE, STRIPE)])
    plsc.subcore_barrier()

    def fire(i, carry):
        pltpu.async_copy(ones_v, acc_sh.at[dst_v.at[i]], sem, add=True)
        return carry

    lax.fori_loop(0, CH, fire, 0)

    def drain(i, carry):
        pltpu.make_async_copy(ones_v, acc_sh.at[dst_v.at[i]], sem).wait()
        return carry

    lax.fori_loop(0, CH, drain, 0)
    plsc.subcore_barrier()
    pltpu.sync_copy(acc_sh.at[pl.ds(s * STRIPE, STRIPE)],
                    out_hbm.at[pl.ds(c * NSC + s * STRIPE, STRIPE)])


@functools.partial(
    pl.kernel,
    out_type=jax.ShapeDtypeStruct((2 * NSC, DIN), _f32),
    mesh=_mesh,
    scratch_types=[
        pltpu.VMEM((CW,), jnp.int32),
        pltpu.VMEM((CW,), jnp.int32),
        pltpu.VMEM((CH, CW), jnp.int32),
        pltpu.VMEM((CW, DIN), _f32),
        pltpu.VMEM((CW, DIN), _f32),
        pltpu.VMEM_SHARED((NSC, DIN), _f32),
        pltpu.SemaphoreType.DMA,
        pltpu.SemaphoreType.DMA,
        pltpu.SemaphoreType.DMA,
        pltpu.SemaphoreType.DMA,
    ],
)
def _sc_agg(edges_hbm, xs_hbm, out_hbm,
            src_a, src_b, dst_v, rows_a, rows_b, acc_sh, sem_a, sem_b,
            isem_a, isem_b):
    c = lax.axis_index("c")
    s = lax.axis_index("s")
    wid = s * 2 + c
    pltpu.sync_copy(edges_hbm.at[1, wid], dst_v)

    def zfill(r, carry):
        for j in range(DIN // 16):
            rows_a[r, pl.ds(j * 16, 16)] = jnp.zeros((16,), _f32)
        return carry

    lax.fori_loop(0, CW, zfill, 0)
    for i in range(STRIPE // CW):
        pltpu.sync_copy(rows_a, acc_sh.at[pl.ds(s * STRIPE + i * CW, CW), :])
    plsc.subcore_barrier()

    pltpu.sync_copy(edges_hbm.at[0, wid, 0], src_a)
    pltpu.async_copy(xs_hbm.at[src_a], rows_a, sem_a)
    pltpu.async_copy(edges_hbm.at[0, wid, 1], src_b, isem_b)

    def pair(t, carry):
        i = 2 * t

        @pl.when(i + 1 < CH)
        def _():
            pltpu.make_async_copy(edges_hbm.at[0, wid, i + 1], src_b, isem_b).wait()
            pltpu.async_copy(xs_hbm.at[src_b], rows_b, sem_b)

        pltpu.make_async_copy(xs_hbm.at[src_a], rows_a, sem_a).wait()

        @pl.when(i + 2 < CH)
        def _():
            pltpu.async_copy(edges_hbm.at[0, wid, i + 2], src_a, isem_a)

        pltpu.sync_copy(rows_a, acc_sh.at[dst_v.at[i]], add=True)

        @pl.when(i + 2 < CH)
        def _():
            pltpu.make_async_copy(edges_hbm.at[0, wid, i + 2], src_a, isem_a).wait()
            pltpu.async_copy(xs_hbm.at[src_a], rows_a, sem_a)

        @pl.when(i + 1 < CH)
        def _():
            pltpu.make_async_copy(xs_hbm.at[src_b], rows_b, sem_b).wait()

            @pl.when(i + 3 < CH)
            def _():
                pltpu.async_copy(edges_hbm.at[0, wid, i + 3], src_b, isem_b)

            pltpu.sync_copy(rows_b, acc_sh.at[dst_v.at[i + 1]], add=True)

        return carry

    lax.fori_loop(0, (CH + 1) // 2, pair, 0)
    plsc.subcore_barrier()
    pltpu.sync_copy(acc_sh.at[pl.ds(s * STRIPE, STRIPE), :],
                    out_hbm.at[pl.ds(c * NSC + s * STRIPE, STRIPE), :])


@functools.partial(
    pl.kernel,
    out_type=jax.ShapeDtypeStruct((2 * NSC,), _f32),
    mesh=_mesh,
    scratch_types=[
        pltpu.VMEM((CH, CW), jnp.int32),
        pltpu.VMEM((CH, CW), jnp.int32),
        pltpu.VMEM((STRIPE,), _f32),
        pltpu.VMEM((CH, CW), _f32),
        pltpu.VMEM_SHARED((NSC,), _f32),
        pltpu.VMEM_SHARED((NSC,), _f32),
        pltpu.SemaphoreType.DMA,
        pltpu.SemaphoreType.DMA,
    ],
)
def _sc_sagg(edges_hbm, s2_hbm, out_hbm,
             src_v, dst_v, sbuf, gbuf, s2_sh, acc_sh, sem_a, sem_b):
    c = lax.axis_index("c")
    s = lax.axis_index("s")
    wid = s * 2 + c
    pltpu.sync_copy(edges_hbm.at[0, wid], src_v)
    pltpu.sync_copy(edges_hbm.at[1, wid], dst_v)
    pltpu.sync_copy(s2_hbm.at[pl.ds(s * STRIPE, STRIPE)], sbuf)
    pltpu.sync_copy(sbuf, s2_sh.at[pl.ds(s * STRIPE, STRIPE)])

    def zfill(i, carry):
        sbuf[pl.ds(i * 16, 16)] = jnp.zeros((16,), _f32)
        return carry

    lax.fori_loop(0, STRIPE // 16, zfill, 0)
    pltpu.sync_copy(sbuf, acc_sh.at[pl.ds(s * STRIPE, STRIPE)])
    plsc.subcore_barrier()

    def gfire(i, carry):
        pltpu.async_copy(s2_sh.at[src_v.at[i]], gbuf.at[i], sem_a)
        return carry

    lax.fori_loop(0, CH, gfire, 0)

    def gdrain(i, carry):
        pltpu.make_async_copy(s2_sh.at[src_v.at[i]], gbuf.at[i], sem_a).wait()
        return carry

    lax.fori_loop(0, CH, gdrain, 0)

    def sfire(i, carry):
        pltpu.async_copy(gbuf.at[i], acc_sh.at[dst_v.at[i]], sem_b, add=True)
        return carry

    lax.fori_loop(0, CH, sfire, 0)

    def sdrain(i, carry):
        pltpu.make_async_copy(gbuf.at[i], acc_sh.at[dst_v.at[i]], sem_b).wait()
        return carry

    lax.fori_loop(0, CH, sdrain, 0)
    plsc.subcore_barrier()
    pltpu.sync_copy(acc_sh.at[pl.ds(s * STRIPE, STRIPE)],
                    out_hbm.at[pl.ds(c * NSC + s * STRIPE, STRIPE)])



def _tc_scale_body(x_ref, d0_ref, d1_ref, xs_ref, dinv_ref):
    deg = d0_ref[...] + d1_ref[...] + 1.0
    dinv = lax.rsqrt(deg)
    dinv_ref[...] = dinv
    dcol = jnp.transpose(dinv.reshape(1, NP), (1, 0))
    xs_ref[...] = x_ref[...] * dcol


def _tc_scale(xp, deg2):
    return pl.pallas_call(
        _tc_scale_body,
        grid=(1,),
        in_specs=[
            pl.BlockSpec((NP, DIN), lambda i: (0, 0)),
            pl.BlockSpec((NPR, 128), lambda i: (0, 0)),
            pl.BlockSpec((NPR, 128), lambda i: (1, 0)),
        ],
        out_specs=[
            pl.BlockSpec((NP, DIN), lambda i: (0, 0)),
            pl.BlockSpec((NPR, 128), lambda i: (0, 0)),
        ],
        out_shape=[
            jax.ShapeDtypeStruct((NP, DIN), _f32),
            jax.ShapeDtypeStruct((NPR, 128), _f32),
        ],
    )(xp, deg2, deg2)


def _tc_encode_body(a0_ref, a1_ref, x_ref, dv_ref, We_ref, be_ref, Wrr_ref,
                    h_ref, s1_ref, s2_ref):
    dcol = jnp.transpose(dv_ref[...].reshape(1, BR), (1, 0))
    h_in = (a0_ref[...] + a1_ref[...]) * dcol + x_ref[...] * (dcol * dcol)
    hb = jnp.dot(h_in, We_ref[...], preferred_element_type=_f32)
    hb = jnp.maximum(hb + be_ref[...], 0.0)
    h_ref[...] = hb
    s12 = jnp.dot(hb, Wrr_ref[...], preferred_element_type=_f32)
    s1_ref[...] = jnp.transpose(s12[:, 0:1], (1, 0)).reshape(BR // 128, 128)
    s2_ref[...] = jnp.transpose(s12[:, 1:2], (1, 0)).reshape(BR // 128, 128)


def _tc_encode(aggp, xp, dinv2d, W_enc, be1, Wrr):
    blk = lambda i: (i, 0)
    zero = lambda i: (0, 0)
    nr = BR // 128
    return pl.pallas_call(
        _tc_encode_body,
        grid=(NB,),
        in_specs=[
            pl.BlockSpec((BR, DIN), blk),
            pl.BlockSpec((BR, DIN), lambda i: (i + NB, 0)),
            pl.BlockSpec((BR, DIN), blk),
            pl.BlockSpec((8, 128), blk),
            pl.BlockSpec((DIN, H), zero),
            pl.BlockSpec((1, H), zero),
            pl.BlockSpec((H, 128), zero),
        ],
        out_specs=[
            pl.BlockSpec((BR, H), blk),
            pl.BlockSpec((nr, 128), blk),
            pl.BlockSpec((nr, 128), blk),
        ],
        out_shape=[
            jax.ShapeDtypeStruct((NP, H), _f32),
            jax.ShapeDtypeStruct((NPR, 128), _f32),
            jax.ShapeDtypeStruct((NPR, 128), _f32),
        ],
    )(aggp, aggp, xp, dinv2d, W_enc, be1, Wrr)


def _tc_final_body(h_ref, s1_ref, sg0_ref, sg1_ref, batch_ref, bs_ref,
                   gamma_ref, beta_ref, Wfc_ref, bfc_ref, out_ref,
                   w_scr, cnt_scr, S_scr, Q_scr):
    pid = pl.program_id(0)

    @pl.when(pid == 0)
    def _phase1():
        score2d = s1_ref[...] + sg0_ref[...] + sg1_ref[...] + bs_ref[...]
        score2d = jnp.where(score2d == 0.0, 0.0, score2d)
        score_row = score2d.reshape(1, NP)
        batch_row = batch_ref[...].reshape(1, NP)
        g_col = lax.broadcasted_iota(jnp.int32, (G, 1), 0)
        onehot = batch_row == g_col
        cnt = jnp.sum(jnp.where(onehot, 1.0, 0.0), axis=1, keepdims=True)
        kq = jnp.floor((cnt + 1.0) * 0.5)

        sb = lax.bitcast_convert_type(score_row, jnp.int32)
        key_row = sb ^ (lax.shift_right_arithmetic(sb, 31)
                        & jnp.int32(0x7FFFFFFF))

        key_m = jnp.where(onehot, key_row, jnp.int32(-2147483648))

        def count_ge(tcol):
            return jnp.sum(jnp.where(key_m >= tcol, 1.0, 0.0), axis=1,
                           keepdims=True)

        zero_t = jnp.zeros((G, 1), jnp.int32)
        t0 = jnp.where(count_ge(zero_t) >= kq, zero_t,
                       jnp.full((G, 1), jnp.int32(-2147483648)))

        def bit_body(bi, t):
            tc = t + (jnp.int32(1) << (30 - bi))
            return jnp.where(count_ge(tc) >= kq, tc, t)

        tfin = lax.fori_loop(0, 31, bit_body, t0)

        gt_m = key_m > tfin
        eq_m = (key_m == tfin) & onehot
        cnt_gt = jnp.sum(jnp.where(gt_m, 1.0, 0.0), axis=1, keepdims=True)
        eqc = jnp.sum(jnp.where(eq_m, 1.0, 0.0), axis=1, keepdims=True)
        need = kq - cnt_gt

        gi = lax.broadcasted_iota(jnp.int32, (G, G), 0)
        gj = lax.broadcasted_iota(jnp.int32, (G, G), 1)
        tri_g = jnp.where(gj < gi, 1.0, 0.0)
        base = jnp.dot(tri_g, eqc, preferred_element_type=_f32)
        lim = base + need

        eq_row = jnp.sum(jnp.where(eq_m, 1.0, 0.0), axis=0, keepdims=True)
        eq2d = eq_row.reshape(NPR, 128)
        ci = lax.broadcasted_iota(jnp.int32, (128, 128), 0)
        cj = lax.broadcasted_iota(jnp.int32, (128, 128), 1)
        tri_incl = jnp.where(ci <= cj, 1.0, 0.0)
        cum_in_row = jnp.dot(eq2d, tri_incl, preferred_element_type=_f32)
        rowtot = jnp.sum(eq2d, axis=1, keepdims=True)
        ri = lax.broadcasted_iota(jnp.int32, (NPR, NPR), 0)
        rj = lax.broadcasted_iota(jnp.int32, (NPR, NPR), 1)
        tri_r = jnp.where(rj < ri, 1.0, 0.0)
        rowbase = jnp.dot(tri_r, rowtot, preferred_element_type=_f32)
        p_excl = cum_in_row + rowbase - eq2d
        p_row = p_excl.reshape(1, NP)

        sel_m = gt_m | (eq_m & (p_row < lim))
        sel_row = jnp.sum(jnp.where(sel_m, 1.0, 0.0), axis=0, keepdims=True)
        w_row = jnp.tanh(score_row) * sel_row
        w_scr[...] = w_row.reshape(NPR, 128)
        cnt_scr[...] = jnp.broadcast_to(kq, (G, 128))
        S_scr[...] = jnp.zeros((G, H), _f32)
        Q_scr[...] = jnp.zeros((8, H), _f32)

    hb = h_ref[...]
    wcol = jnp.transpose(w_scr[pl.ds(pid * 8, 8), :].reshape(1, BR), (1, 0))
    brow = batch_ref[pl.ds(pid * 8, 8), :].reshape(1, BR)
    g_col = lax.broadcasted_iota(jnp.int32, (G, 1), 0)
    onehot_t = jnp.where(brow == g_col, 1.0, 0.0)
    hw = hb * wcol
    S_scr[...] += jnp.dot(onehot_t, hw, preferred_element_type=_f32)
    Q_scr[0:1, :] += jnp.sum(hw * hw, axis=0, keepdims=True)

    @pl.when(pid == NB - 1)
    def _finalize():
        S = S_scr[...]
        cnt = cnt_scr[:, 0:1]
        m_tot = jnp.sum(cnt)
        mean = jnp.sum(S, axis=0, keepdims=True) / m_tot
        var = Q_scr[0:1, :] / m_tot - mean * mean
        gm = gamma_ref[...] * lax.rsqrt(var + 1e-5)
        cntc = jnp.maximum(cnt, 1.0)
        pooled = (S / cntc - mean) * gm + beta_ref[...]
        pooled = jnp.where(cnt > 0.0, pooled, 0.0)
        logits = jnp.dot(pooled, Wfc_ref[...], preferred_element_type=_f32)
        logits = logits + bfc_ref[...]
        lmask = lax.broadcasted_iota(jnp.int32, (1, 128), 1) < C
        lg = jnp.where(lmask, logits, jnp.float32(-1e30))
        mx = jnp.max(lg, axis=1, keepdims=True)
        z = lg - mx
        ez = jnp.where(lmask, jnp.exp(z), 0.0)
        lse = jnp.log(jnp.sum(ez, axis=1, keepdims=True))
        out_ref[...] = z - lse


def _tc_final(hp, s1_2d, saggp, batchp, bs2d, gm1, bt1, Wfc, bfc1):
    blk = lambda i: (i, 0)
    zero = lambda i: (0, 0)
    return pl.pallas_call(
        _tc_final_body,
        grid=(NB,),
        in_specs=[
            pl.BlockSpec((BR, H), blk),
            pl.BlockSpec((NPR, 128), zero),
            pl.BlockSpec((NPR, 128), zero),
            pl.BlockSpec((NPR, 128), lambda i: (1, 0)),
            pl.BlockSpec((NPR, 128), zero),
            pl.BlockSpec((NPR, 128), zero),
            pl.BlockSpec((1, H), zero),
            pl.BlockSpec((1, H), zero),
            pl.BlockSpec((H, 128), zero),
            pl.BlockSpec((1, 128), zero),
        ],
        out_specs=pl.BlockSpec((G, 128), zero),
        out_shape=jax.ShapeDtypeStruct((G, 128), _f32),
        scratch_shapes=[
            pltpu.VMEM((NPR, 128), _f32),
            pltpu.VMEM((G, 128), _f32),
            pltpu.VMEM((G, H), _f32),
            pltpu.VMEM((8, H), _f32),
        ],
    )(hp, s1_2d, saggp, saggp, batchp, bs2d, gm1, bt1, Wfc, bfc1)



def _to2d(v):
    return v.reshape(NPR, 128)


def kernel(x, edge_index, batch, W_enc, b_enc, W_root, W_rel, b_score,
           gamma, beta, W_fc, b_fc):
    npad = EPAD - E
    padidx = jnp.broadcast_to((jnp.arange(npad, dtype=jnp.int32) % 48) + N,
                              (2, npad))
    edgesp = jnp.concatenate([edge_index, padidx], axis=1).reshape(
        2, NW, CH, CW)

    xp = jnp.pad(x, ((0, NP - N), (0, 0)))
    batchp = jnp.pad(batch, (0, NP - N), constant_values=G).reshape(NPR, 128)

    deg_parts = _sc_deg(edgesp)
    xs, dinv2d = _tc_scale(xp, deg_parts.reshape(2 * NPR, 128))

    agg_parts = _sc_agg(edgesp, xs)

    Wrr = jnp.pad(jnp.concatenate([W_root, W_rel], axis=1), ((0, 0), (0, 126)))
    hp, s1_2d, s2_2d = _tc_encode(agg_parts, xp, dinv2d, W_enc,
                                  b_enc.reshape(1, H), Wrr)

    sagg_parts = _sc_sagg(edgesp, s2_2d.reshape(NP))

    bs2d = jnp.broadcast_to(b_score.reshape(1, 1), (NPR, 128))
    Wfc = jnp.pad(W_fc, ((0, 0), (0, 128 - C)))
    out2d = _tc_final(hp, s1_2d, sagg_parts.reshape(2 * NPR, 128), batchp,
                      bs2d, gamma.reshape(1, H), beta.reshape(1, H), Wfc,
                      jnp.pad(b_fc, (0, 128 - C)).reshape(1, 128))
    return out2d[:, :C]

# --- scband reference (transcript-rebuilt; emitter-appended) ---
"""Pipeline reference for scband-rumor-detector-87617332838922 (READ-ONLY COPY).

The authoritative reference and input builder live on the scoring server;
editing this copy changes nothing except your own understanding.
"""

import jax, jax.numpy as jnp
import numpy as np

N = 10000
E = 320000
D_IN = 128
H = 512
C = 4
G = 64
RATIO = 0.5


def gcn_conv(x, edge_index, W, b, num_nodes):
    src, dst = edge_index[0], edge_index[1]
    loop = jnp.arange(num_nodes, dtype=src.dtype)
    src = jnp.concatenate([src, loop])
    dst = jnp.concatenate([dst, loop])
    deg = jnp.zeros((num_nodes,), dtype=jnp.float32).at[dst].add(1.0)
    dinv = 1.0 / jnp.sqrt(jnp.maximum(deg, 1.0))
    norm = dinv[src] * dinv[dst]
    h = x @ W
    out = jnp.zeros((num_nodes, W.shape[1]), dtype=x.dtype).at[dst].add(h[src] * norm[:, None])
    return out + b


def graph_conv_score(x, edge_index, W_root, W_rel, b, num_nodes):
    src, dst = edge_index[0], edge_index[1]
    agg = jnp.zeros_like(x).at[dst].add(x[src])
    return (x @ W_root + agg @ W_rel + b).squeeze(-1)


def topk_perm(score, batch, ratio, num_graphs):
    # per-graph top-k selection (SAGPooling ratio=0.5); fixed-shape boolean mask
    n = score.shape[0]
    counts = jax.ops.segment_sum(jnp.ones((n,), dtype=jnp.int32), batch, num_segments=num_graphs)
    offsets = jnp.cumsum(counts) - counts
    order = jnp.lexsort((-score, batch))
    g_sorted = batch[order]
    rank = jnp.arange(n, dtype=jnp.int32) - offsets[g_sorted]
    k = jnp.ceil(ratio * counts.astype(score.dtype)).astype(jnp.int32)
    sel_sorted = rank < k[g_sorted]
    mask = jnp.zeros((n,), dtype=bool).at[order].set(sel_sorted)
    return mask


def setup_inputs(seed: int = 0) -> dict:
    key = jax.random.key(seed)
    ks = jax.random.split(key, 12)
    x = jax.random.normal(ks[0], (N, D_IN), dtype=jnp.float32)
    edge_index = jax.random.randint(ks[1], (2, E), 0, N, dtype=jnp.int32)
    batch = jnp.sort(jax.random.randint(ks[2], (N,), 0, G, dtype=jnp.int32))
    W_enc = jax.random.normal(ks[3], (D_IN, H), dtype=jnp.float32) * (1.0 / np.sqrt(D_IN))
    b_enc = jnp.zeros((H,), dtype=jnp.float32)
    W_root = jax.random.normal(ks[4], (H, 1), dtype=jnp.float32) * (1.0 / np.sqrt(H))
    W_rel = jax.random.normal(ks[5], (H, 1), dtype=jnp.float32) * (1.0 / np.sqrt(H))
    b_score = jnp.zeros((1,), dtype=jnp.float32)
    gamma = jnp.ones((H,), dtype=jnp.float32)
    beta = jnp.zeros((H,), dtype=jnp.float32)
    W_fc = jax.random.normal(ks[6], (H, C), dtype=jnp.float32) * (1.0 / np.sqrt(H))
    b_fc = jnp.zeros((C,), dtype=jnp.float32)
    return {"x": x, "edge_index": edge_index, "batch": batch, "W_enc": W_enc, "b_enc": b_enc,
            "W_root": W_root, "W_rel": W_rel, "b_score": b_score, "gamma": gamma, "beta": beta,
            "W_fc": W_fc, "b_fc": b_fc}


def reference(x, edge_index, batch, W_enc, b_enc, W_root, W_rel, b_score, gamma, beta, W_fc, b_fc):
    # shared_encoder: GCNConv(D_IN -> HIDDEN_CHANNELS) + ReLU
    h = jax.nn.relu(gcn_conv(x, edge_index, W_enc, b_enc, N))
    # SAGPooling(HIDDEN_CHANNELS, ratio=0.5): GraphConv score -> per-graph top-k -> tanh gating
    score = graph_conv_score(h, edge_index, W_root, W_rel, b_score, N)
    mask = topk_perm(score, batch, RATIO, G)
    m = mask.astype(h.dtype)
    M = jnp.sum(m)
    h_gate = h * jnp.tanh(score)[:, None]
    # BatchNorm (training-mode batch statistics) over selected rows via masking
    mean = jnp.sum(h_gate * m[:, None], axis=0) / M
    var = jnp.sum(((h_gate - mean) ** 2) * m[:, None], axis=0) / M
    h_bn = (h_gate - mean) / jnp.sqrt(var + 1e-5) * gamma + beta
    # global_mean_pool over selected rows via masked segment sums
    sums = jax.ops.segment_sum(h_bn * m[:, None], batch, num_segments=G)
    cnt = jax.ops.segment_sum(m, batch, num_segments=G)
    pooled = sums / jnp.maximum(cnt, 1.0)[:, None]
    logits = pooled @ W_fc + b_fc
    return jax.nn.log_softmax(logits, axis=-1)

if __name__ == "__main__":
    import jax
    _d = setup_inputs()
    print(jax.jit(kernel)(*tuple(_d.values())))

</pallas_src>

<mosaic_0001>
#map = affine_map<(d0, d1) -> (0, 0, 0, 0)>
#map1 = affine_map<(d0, d1) -> (0, 0)>
module attributes {stable_mosaic.version = 14 : i64} {
  func.func @_sc_agg(%arg0: i32, %arg1: i32, %arg2: memref<2x32x79x128xi32, #tpu.memory_space<hbm>>, %arg3: memref<10240x128xf32, #tpu.memory_space<hbm>>, %arg4: memref<20480x128xf32, #tpu.memory_space<hbm>>, %arg5: memref<128xi32, #tpu.memory_space<vmem>>, %arg6: memref<128xi32, #tpu.memory_space<vmem>>, %arg7: memref<79x128xi32, #tpu.memory_space<vmem>>, %arg8: memref<128x128xf32, #tpu.memory_space<vmem>>, %arg9: memref<128x128xf32, #tpu.memory_space<vmem>>, %arg10: memref<10240x128xf32, #tpu.memory_space<vmem_shared>>, %arg11: memref<!tpu.dma_semaphore, #tpu.memory_space<semaphore_mem>>, %arg12: memref<!tpu.dma_semaphore, #tpu.memory_space<semaphore_mem>>, %arg13: memref<!tpu.dma_semaphore, #tpu.memory_space<semaphore_mem>>, %arg14: memref<!tpu.dma_semaphore, #tpu.memory_space<semaphore_mem>>) attributes {dimension_semantics = [#tpu.dimension_semantics<core_parallel>, #tpu.dimension_semantics<subcore_parallel>], iteration_bounds = array<i64: 2, 16>, scalar_prefetch = 0 : i64, scratch_operands = 10 : i64, tpu.core_type = #tpu.core_type<sc_vector_subcore>, window_params = [{transform_indices = #map}, {transform_indices = #map1}, {transform_indices = #map1}]} {
    %mul3A = arith.constant 2 : i32
    %mul3A_0 = arith.muli %arg1, %mul3A : i32
    %add3A = arith.addi %mul3A_0, %arg0 : i32
    %run_scoped3A = arith.constant 1 : i32
    "tpu.region"() ({
      %run_scoped3A_52 = tpu.sem_alloc : memref<!tpu.dma_semaphore, #tpu.memory_space<semaphore_mem>>
      %dma_start3A_53 = arith.constant 0 : i32
      %dma_start3A_54 = arith.constant 0 : i32
      %dma_start3A_55 = tpu.memref_slice %arg2[%run_scoped3A, %add3A, %dma_start3A_53, %dma_start3A_54] : memref<2x32x79x128xi32, #tpu.memory_space<hbm>> -> memref<1x1x79x128xi32, #tpu.memory_space<hbm>>
      %dma_start3A_56 = tpu.memref_squeeze %dma_start3A_55 : memref<1x1x79x128xi32, #tpu.memory_space<hbm>> -> memref<79x128xi32, #tpu.memory_space<hbm>>
      %dma_start3A_57 = arith.constant 0 : i32
      %dma_start3A_58 = arith.constant 0 : i32
      %dma_start3A_59 = tpu.memref_slice %arg2[%run_scoped3A, %add3A, %dma_start3A_57, %dma_start3A_58] : memref<2x32x79x128xi32, #tpu.memory_space<hbm>> -> memref<1x1x79x128xi32, #tpu.memory_space<hbm>>
      %dma_start3A_60 = tpu.memref_squeeze %dma_start3A_59 : memref<1x1x79x128xi32, #tpu.memory_space<hbm>> -> memref<79x128xi32, #tpu.memory_space<hbm>>
      tpu.enqueue_dma source(%dma_start3A_60 : memref<79x128xi32, #tpu.memory_space<hbm>>) target(%arg7 : memref<79x128xi32, #tpu.memory_space<vmem>>) target_semaphore(%run_scoped3A_52 : memref<!tpu.dma_semaphore, #tpu.memory_space<semaphore_mem>>)
      %dma_wait3A = arith.constant 0 : i32
      %dma_wait3A_61 = arith.constant 0 : i32
      %dma_wait3A_62 = tpu.memref_slice %arg2[%run_scoped3A, %add3A, %dma_wait3A, %dma_wait3A_61] : memref<2x32x79x128xi32, #tpu.memory_space<hbm>> -> memref<1x1x79x128xi32, #tpu.memory_space<hbm>>
      %dma_wait3A_63 = tpu.memref_squeeze %dma_wait3A_62 : memref<1x1x79x128xi32, #tpu.memory_space<hbm>> -> memref<79x128xi32, #tpu.memory_space<hbm>>
      %dma_wait3A_64 = arith.constant 0 : i32
      %dma_wait3A_65 = arith.constant 0 : i32
      %dma_wait3A_66 = tpu.memref_slice %arg2[%run_scoped3A, %add3A, %dma_wait3A_64, %dma_wait3A_65] : memref<2x32x79x128xi32, #tpu.memory_space<hbm>> -> memref<1x1x79x128xi32, #tpu.memory_space<hbm>>
      %dma_wait3A_67 = tpu.memref_squeeze %dma_wait3A_66 : memref<1x1x79x128xi32, #tpu.memory_space<hbm>> -> memref<79x128xi32, #tpu.memory_space<hbm>>
      tpu.wait_dma2 semaphore(%run_scoped3A_52 : memref<!tpu.dma_semaphore, #tpu.memory_space<semaphore_mem>>) src(%dma_wait3A_67 : memref<79x128xi32, #tpu.memory_space<hbm>>) dst(%arg7 : memref<79x128xi32, #tpu.memory_space<vmem>>)
      tpu.yield
    }) : () -> ()
    %scan3A = arith.constant 0 : i32
    %scan3A_1 = arith.constant 0 : i32
    %scan3A_2 = arith.constant 128 : i32
    %scan3A_3 = arith.addi %scan3A_1, %scan3A_2 : i32
    %scan3A_4 = arith.constant 1 : i32
    scf.for %scan3A_52 = %scan3A_1 to %scan3A_3 step %scan3A_4  : i32 {
      %broadcast_in_dim3A = arith.constant 0.000000e+00 : f32
      %broadcast_in_dim3A_53 = vector.broadcast %broadcast_in_dim3A : f32 to vector<16xf32>
      %swap3A = arith.index_cast %scan3A_52 : i32 to index
      %swap3A_54 = arith.constant 0 : index
      %swap3A_55 = tpu.vector_load %arg8[%swap3A, %swap3A_54] {strides = array<i32>} : memref<128x128xf32, #tpu.memory_space<vmem>>, vector<1x16xf32>,
      %swap3A_56 = vector.shape_cast %swap3A_55 : vector<1x16xf32> to vector<16xf32>
      %swap3A_57 = vector.shape_cast %broadcast_in_dim3A_53 : vector<16xf32> to vector<1x16xf32>
      tpu.vector_store %arg8[%swap3A, %swap3A_54], %swap3A_57 {strides = array<i32>} : memref<128x128xf32, #tpu.memory_space<vmem>>, vector<1x16xf32>,
      %broadcast_in_dim3A_58 = arith.constant 0.000000e+00 : f32
      %broadcast_in_dim3A_59 = vector.broadcast %broadcast_in_dim3A_58 : f32 to vector<16xf32>
      %swap3A_60 = arith.index_cast %scan3A_52 : i32 to index
      %swap3A_61 = arith.constant 16 : index
      %swap3A_62 = tpu.vector_load %arg8[%swap3A_60, %swap3A_61] {strides = array<i32>} : memref<128x128xf32, #tpu.memory_space<vmem>>, vector<1x16xf32>,
      %swap3A_63 = vector.shape_cast %swap3A_62 : vector<1x16xf32> to vector<16xf32>
      %swap3A_64 = vector.shape_cast %broadcast_in_dim3A_59 : vector<16xf32> to vector<1x16xf32>
      tpu.vector_store %arg8[%swap3A_60, %swap3A_61], %swap3A_64 {strides = array<i32>} : memref<128x128xf32, #tpu.memory_space<vmem>>, vector<1x16xf32>,
      %broadcast_in_dim3A_65 = arith.constant 0.000000e+00 : f32
      %broadcast_in_dim3A_66 = vector.broadcast %broadcast_in_dim3A_65 : f32 to vector<16xf32>
      %swap3A_67 = arith.index_cast %scan3A_52 : i32 to index
      %swap3A_68 = arith.constant 32 : index
      %swap3A_69 = tpu.vector_load %arg8[%swap3A_67, %swap3A_68] {strides = array<i32>} : memref<128x128xf32, #tpu.memory_space<vmem>>, vector<1x16xf32>,
      %swap3A_70 = vector.shape_cast %swap3A_69 : vector<1x16xf32> to vector<16xf32>
      %swap3A_71 = vector.shape_cast %broadcast_in_dim3A_66 : vector<16xf32> to vector<1x16xf32>
      tpu.vector_store %arg8[%swap3A_67, %swap3A_68], %swap3A_71 {strides = array<i32>} : memref<128x128xf32, #tpu.memory_space<vmem>>, vector<1x16xf32>,
      %broadcast_in_dim3A_72 = arith.constant 0.000000e+00 : f32
      %broadcast_in_dim3A_73 = vector.broadcast %broadcast_in_dim3A_72 : f32 to vector<16xf32>
      %swap3A_74 = arith.index_cast %scan3A_52 : i32 to index
      %swap3A_75 = arith.constant 48 : index
      %swap3A_76 = tpu.vector_load %arg8[%swap3A_74, %swap3A_75] {strides = array<i32>} : memref<128x128xf32, #tpu.memory_space<vmem>>, vector<1x16xf32>,
      %swap3A_77 = vector.shape_cast %swap3A_76 : vector<1x16xf32> to vector<16xf32>
      %swap3A_78 = vector.shape_cast %broadcast_in_dim3A_73 : vector<16xf32> to vector<1x16xf32>
      tpu.vector_store %arg8[%swap3A_74, %swap3A_75], %swap3A_78 {strides = array<i32>} : memref<128x128xf32, #tpu.memory_space<vmem>>, vector<1x16xf32>,
      %broadcast_in_dim3A_79 = arith.constant 0.000000e+00 : f32
      %broadcast_in_dim3A_80 = vector.broadcast %broadcast_in_dim3A_79 : f32 to vector<16xf32>
      %swap3A_81 = arith.index_cast %scan3A_52 : i32 to index
      %swap3A_82 = arith.constant 64 : index
      %swap3A_83 = tpu.vector_load %arg8[%swap3A_81, %swap3A_82] {strides = array<i32>} : memref<128x128xf32, #tpu.memory_space<vmem>>, vector<1x16xf32>,
      %swap3A_84 = vector.shape_cast %swap3A_83 : vector<1x16xf32> to vector<16xf32>
      %swap3A_85 = vector.shape_cast %broadcast_in_dim3A_80 : vector<16xf32> to vector<1x16xf32>
      tpu.vector_store %arg8[%swap3A_81, %swap3A_82], %swap3A_85 {strides = array<i32>} : memref<128x128xf32, #tpu.memory_space<vmem>>, vector<1x16xf32>,
      %broadcast_in_dim3A_86 = arith.constant 0.000000e+00 : f32
      %broadcast_in_dim3A_87 = vector.broadcast %broadcast_in_dim3A_86 : f32 to vector<16xf32>
      %swap3A_88 = arith.index_cast %scan3A_52 : i32 to index
      %swap3A_89 = arith.constant 80 : index
      %swap3A_90 = tpu.vector_load %arg8[%swap3A_88, %swap3A_89] {strides = array<i32>} : memref<128x128xf32, #tpu.memory_space<vmem>>, vector<1x16xf32>,
      %swap3A_91 = vector.shape_cast %swap3A_90 : vector<1x16xf32> to vector<16xf32>
      %swap3A_92 = vector.shape_cast %broadcast_in_dim3A_87 : vector<16xf32> to vector<1x16xf32>
      tpu.vector_store %arg8[%swap3A_88, %swap3A_89], %swap3A_92 {strides = array<i32>} : memref<128x128xf32, #tpu.memory_space<vmem>>, vector<1x16xf32>,
      %broadcast_in_dim3A_93 = arith.constant 0.000000e+00 : f32
      %broadcast_in_dim3A_94 = vector.broadcast %broadcast_in_dim3A_93 : f32 to vector<16xf32>
      %swap3A_95 = arith.index_cast %scan3A_52 : i32 to index
      %swap3A_96 = arith.constant 96 : index
      %swap3A_97 = tpu.vector_load %arg8[%swap3A_95, %swap3A_96] {strides = array<i32>} : memref<128x128xf32, #tpu.memory_space<vmem>>, vector<1x16xf32>,
      %swap3A_98 = vector.shape_cast %swap3A_97 : vector<1x16xf32> to vector<16xf32>
      %swap3A_99 = vector.shape_cast %broadcast_in_dim3A_94 : vector<16xf32> to vector<1x16xf32>
      tpu.vector_store %arg8[%swap3A_95, %swap3A_96], %swap3A_99 {strides = array<i32>} : memref<128x128xf32, #tpu.memory_space<vmem>>, vector<1x16xf32>,
      %broadcast_in_dim3A_100 = arith.constant 0.000000e+00 : f32
      %broadcast_in_dim3A_101 = vector.broadcast %broadcast_in_dim3A_100 : f32 to vector<16xf32>
      %swap3A_102 = arith.index_cast %scan3A_52 : i32 to index
      %swap3A_103 = arith.constant 112 : index
      %swap3A_104 = tpu.vector_load %arg8[%swap3A_102, %swap3A_103] {strides = array<i32>} : memref<128x128xf32, #tpu.memory_space<vmem>>, vector<1x16xf32>,
      %swap3A_105 = vector.shape_cast %swap3A_104 : vector<1x16xf32> to vector<16xf32>
      %swap3A_106 = vector.shape_cast %broadcast_in_dim3A_101 : vector<16xf32> to vector<1x16xf32>
      tpu.vector_store %arg8[%swap3A_102, %swap3A_103], %swap3A_106 {strides = array<i32>} : memref<128x128xf32, #tpu.memory_space<vmem>>, vector<1x16xf32>,
    }
    %scan3A_5 = arith.constant 128 : i32
    %mul3A_6 = arith.constant 640 : i32
    %mul3A_7 = arith.muli %arg1, %mul3A_6 : i32
    %add3A_8 = arith.constant 0 : i32
    %add3A_9 = arith.addi %mul3A_7, %add3A_8 : i32
    "tpu.region"() ({
      %run_scoped3A_52 = tpu.sem_alloc : memref<!tpu.dma_semaphore, #tpu.memory_space<semaphore_mem>>
      %dma_start3A_53 = arith.constant 0 : i32
      %dma_start3A_54 = tpu.memref_slice %arg10[%add3A_9, %dma_start3A_53] : memref<10240x128xf32, #tpu.memory_space<vmem_shared>> -> memref<128x128xf32, #tpu.memory_space<vmem_shared>>
      %dma_start3A_55 = arith.constant 0 : i32
      %dma_start3A_56 = tpu.memref_slice %arg10[%add3A_9, %dma_start3A_55] : memref<10240x128xf32, #tpu.memory_space<vmem_shared>> -> memref<128x128xf32, #tpu.memory_space<vmem_shared>>
      tpu.enqueue_dma source(%arg8 : memref<128x128xf32, #tpu.memory_space<vmem>>) target(%dma_start3A_56 : memref<128x128xf32, #tpu.memory_space<vmem_shared>>) target_semaphore(%run_scoped3A_52 : memref<!tpu.dma_semaphore, #tpu.memory_space<semaphore_mem>>)
      %dma_wait3A = arith.constant 0 : i32
      %dma_wait3A_57 = tpu.memref_slice %arg10[%add3A_9, %dma_wait3A] : memref<10240x128xf32, #tpu.memory_space<vmem_shared>> -> memref<128x128xf32, #tpu.memory_space<vmem_shared>>
      %dma_wait3A_58 = arith.constant 0 : i32
      %dma_wait3A_59 = tpu.memref_slice %arg10[%add3A_9, %dma_wait3A_58] : memref<10240x128xf32, #tpu.memory_space<vmem_shared>> -> memref<128x128xf32, #tpu.memory_space<vmem_shared>>
      tpu.wait_dma2 semaphore(%run_scoped3A_52 : memref<!tpu.dma_semaphore, #tpu.memory_space<semaphore_mem>>) src(%arg8 : memref<128x128xf32, #tpu.memory_space<vmem>>) dst(%dma_wait3A_59 : memref<128x128xf32, #tpu.memory_space<vmem_shared>>)
      tpu.yield
    }) : () -> ()
    %mul3A_10 = arith.constant 640 : i32
    %mul3A_11 = arith.muli %arg1, %mul3A_10 : i32
    %add3A_12 = arith.constant 128 : i32
    %add3A_13 = arith.addi %mul3A_11, %add3A_12 : i32
    "tpu.region"() ({
      %run_scoped3A_52 = tpu.sem_alloc : memref<!tpu.dma_semaphore, #tpu.memory_space<semaphore_mem>>
      %dma_start3A_53 = arith.constant 0 : i32
      %dma_start3A_54 = tpu.memref_slice %arg10[%add3A_13, %dma_start3A_53] : memref<10240x128xf32, #tpu.memory_space<vmem_shared>> -> memref<128x128xf32, #tpu.memory_space<vmem_shared>>
      %dma_start3A_55 = arith.constant 0 : i32
      %dma_start3A_56 = tpu.memref_slice %arg10[%add3A_13, %dma_start3A_55] : memref<10240x128xf32, #tpu.memory_space<vmem_shared>> -> memref<128x128xf32, #tpu.memory_space<vmem_shared>>
      tpu.enqueue_dma source(%arg8 : memref<128x128xf32, #tpu.memory_space<vmem>>) target(%dma_start3A_56 : memref<128x128xf32, #tpu.memory_space<vmem_shared>>) target_semaphore(%run_scoped3A_52 : memref<!tpu.dma_semaphore, #tpu.memory_space<semaphore_mem>>)
      %dma_wait3A = arith.constant 0 : i32
      %dma_wait3A_57 = tpu.memref_slice %arg10[%add3A_13, %dma_wait3A] : memref<10240x128xf32, #tpu.memory_space<vmem_shared>> -> memref<128x128xf32, #tpu.memory_space<vmem_shared>>
      %dma_wait3A_58 = arith.constant 0 : i32
      %dma_wait3A_59 = tpu.memref_slice %arg10[%add3A_13, %dma_wait3A_58] : memref<10240x128xf32, #tpu.memory_space<vmem_shared>> -> memref<128x128xf32, #tpu.memory_space<vmem_shared>>
      tpu.wait_dma2 semaphore(%run_scoped3A_52 : memref<!tpu.dma_semaphore, #tpu.memory_space<semaphore_mem>>) src(%arg8 : memref<128x128xf32, #tpu.memory_space<vmem>>) dst(%dma_wait3A_59 : memref<128x128xf32, #tpu.memory_space<vmem_shared>>)
      tpu.yield
    }) : () -> ()
    %mul3A_14 = arith.constant 640 : i32
    %mul3A_15 = arith.muli %arg1, %mul3A_14 : i32
    %add3A_16 = arith.constant 256 : i32
    %add3A_17 = arith.addi %mul3A_15, %add3A_16 : i32
    "tpu.region"() ({
      %run_scoped3A_52 = tpu.sem_alloc : memref<!tpu.dma_semaphore, #tpu.memory_space<semaphore_mem>>
      %dma_start3A_53 = arith.constant 0 : i32
      %dma_start3A_54 = tpu.memref_slice %arg10[%add3A_17, %dma_start3A_53] : memref<10240x128xf32, #tpu.memory_space<vmem_shared>> -> memref<128x128xf32, #tpu.memory_space<vmem_shared>>
      %dma_start3A_55 = arith.constant 0 : i32
      %dma_start3A_56 = tpu.memref_slice %arg10[%add3A_17, %dma_start3A_55] : memref<10240x128xf32, #tpu.memory_space<vmem_shared>> -> memref<128x128xf32, #tpu.memory_space<vmem_shared>>
      tpu.enqueue_dma source(%arg8 : memref<128x128xf32, #tpu.memory_space<vmem>>) target(%dma_start3A_56 : memref<128x128xf32, #tpu.memory_space<vmem_shared>>) target_semaphore(%run_scoped3A_52 : memref<!tpu.dma_semaphore, #tpu.memory_space<semaphore_mem>>)
      %dma_wait3A = arith.constant 0 : i32
      %dma_wait3A_57 = tpu.memref_slice %arg10[%add3A_17, %dma_wait3A] : memref<10240x128xf32, #tpu.memory_space<vmem_shared>> -> memref<128x128xf32, #tpu.memory_space<vmem_shared>>
      %dma_wait3A_58 = arith.constant 0 : i32
      %dma_wait3A_59 = tpu.memref_slice %arg10[%add3A_17, %dma_wait3A_58] : memref<10240x128xf32, #tpu.memory_space<vmem_shared>> -> memref<128x128xf32, #tpu.memory_space<vmem_shared>>
      tpu.wait_dma2 semaphore(%run_scoped3A_52 : memref<!tpu.dma_semaphore, #tpu.memory_space<semaphore_mem>>) src(%arg8 : memref<128x128xf32, #tpu.memory_space<vmem>>) dst(%dma_wait3A_59 : memref<128x128xf32, #tpu.memory_space<vmem_shared>>)
      tpu.yield
    }) : () -> ()
    %mul3A_18 = arith.constant 640 : i32
    %mul3A_19 = arith.muli %arg1, %mul3A_18 : i32
    %add3A_20 = arith.constant 384 : i32
    %add3A_21 = arith.addi %mul3A_19, %add3A_20 : i32
    "tpu.region"() ({
      %run_scoped3A_52 = tpu.sem_alloc : memref<!tpu.dma_semaphore, #tpu.memory_space<semaphore_mem>>
      %dma_start3A_53 = arith.constant 0 : i32
      %dma_start3A_54 = tpu.memref_slice %arg10[%add3A_21, %dma_start3A_53] : memref<10240x128xf32, #tpu.memory_space<vmem_shared>> -> memref<128x128xf32, #tpu.memory_space<vmem_shared>>
      %dma_start3A_55 = arith.constant 0 : i32
      %dma_start3A_56 = tpu.memref_slice %arg10[%add3A_21, %dma_start3A_55] : memref<10240x128xf32, #tpu.memory_space<vmem_shared>> -> memref<128x128xf32, #tpu.memory_space<vmem_shared>>
      tpu.enqueue_dma source(%arg8 : memref<128x128xf32, #tpu.memory_space<vmem>>) target(%dma_start3A_56 : memref<128x128xf32, #tpu.memory_space<vmem_shared>>) target_semaphore(%run_scoped3A_52 : memref<!tpu.dma_semaphore, #tpu.memory_space<semaphore_mem>>)
      %dma_wait3A = arith.constant 0 : i32
      %dma_wait3A_57 = tpu.memref_slice %arg10[%add3A_21, %dma_wait3A] : memref<10240x128xf32, #tpu.memory_space<vmem_shared>> -> memref<128x128xf32, #tpu.memory_space<vmem_shared>>
      %dma_wait3A_58 = arith.constant 0 : i32
      %dma_wait3A_59 = tpu.memref_slice %arg10[%add3A_21, %dma_wait3A_58] : memref<10240x128xf32, #tpu.memory_space<vmem_shared>> -> memref<128x128xf32, #tpu.memory_space<vmem_shared>>
      tpu.wait_dma2 semaphore(%run_scoped3A_52 : memref<!tpu.dma_semaphore, #tpu.memory_space<semaphore_mem>>) src(%arg8 : memref<128x128xf32, #tpu.memory_space<vmem>>) dst(%dma_wait3A_59 : memref<128x128xf32, #tpu.memory_space<vmem_shared>>)
      tpu.yield
    }) : () -> ()
    %mul3A_22 = arith.constant 640 : i32
    %mul3A_23 = arith.muli %arg1, %mul3A_22 : i32
    %add3A_24 = arith.constant 512 : i32
    %add3A_25 = arith.addi %mul3A_23, %add3A_24 : i32
    "tpu.region"() ({
      %run_scoped3A_52 = tpu.sem_alloc : memref<!tpu.dma_semaphore, #tpu.memory_space<semaphore_mem>>
      %dma_start3A_53 = arith.constant 0 : i32
      %dma_start3A_54 = tpu.memref_slice %arg10[%add3A_25, %dma_start3A_53] : memref<10240x128xf32, #tpu.memory_space<vmem_shared>> -> memref<128x128xf32, #tpu.memory_space<vmem_shared>>
      %dma_start3A_55 = arith.constant 0 : i32
      %dma_start3A_56 = tpu.memref_slice %arg10[%add3A_25, %dma_start3A_55] : memref<10240x128xf32, #tpu.memory_space<vmem_shared>> -> memref<128x128xf32, #tpu.memory_space<vmem_shared>>
      tpu.enqueue_dma source(%arg8 : memref<128x128xf32, #tpu.memory_space<vmem>>) target(%dma_start3A_56 : memref<128x128xf32, #tpu.memory_space<vmem_shared>>) target_semaphore(%run_scoped3A_52 : memref<!tpu.dma_semaphore, #tpu.memory_space<semaphore_mem>>)
      %dma_wait3A = arith.constant 0 : i32
      %dma_wait3A_57 = tpu.memref_slice %arg10[%add3A_25, %dma_wait3A] : memref<10240x128xf32, #tpu.memory_space<vmem_shared>> -> memref<128x128xf32, #tpu.memory_space<vmem_shared>>
      %dma_wait3A_58 = arith.constant 0 : i32
      %dma_wait3A_59 = tpu.memref_slice %arg10[%add3A_25, %dma_wait3A_58] : memref<10240x128xf32, #tpu.memory_space<vmem_shared>> -> memref<128x128xf32, #tpu.memory_space<vmem_shared>>
      tpu.wait_dma2 semaphore(%run_scoped3A_52 : memref<!tpu.dma_semaphore, #tpu.memory_space<semaphore_mem>>) src(%arg8 : memref<128x128xf32, #tpu.memory_space<vmem>>) dst(%dma_wait3A_59 : memref<128x128xf32, #tpu.memory_space<vmem_shared>>)
      tpu.yield
    }) : () -> ()
    %barrier3A = arith.constant 0 : index
    tpu.barrier barrier_id(%barrier3A)
    %run_scoped3A_26 = arith.constant 0 : i32
    %run_scoped3A_27 = arith.constant 0 : i32
    "tpu.region"() ({
      %run_scoped3A_52 = tpu.sem_alloc : memref<!tpu.dma_semaphore, #tpu.memory_space<semaphore_mem>>
      %dma_start3A_53 = arith.constant 0 : i32
      %dma_start3A_54 = tpu.memref_slice %arg2[%run_scoped3A_26, %add3A, %run_scoped3A_27, %dma_start3A_53] : memref<2x32x79x128xi32, #tpu.memory_space<hbm>> -> memref<1x1x1x128xi32, #tpu.memory_space<hbm>>
      %dma_start3A_55 = tpu.memref_squeeze %dma_start3A_54 : memref<1x1x1x128xi32, #tpu.memory_space<hbm>> -> memref<128xi32, #tpu.memory_space<hbm>>
      %dma_start3A_56 = arith.constant 0 : i32
      %dma_start3A_57 = tpu.memref_slice %arg2[%run_scoped3A_26, %add3A, %run_scoped3A_27, %dma_start3A_56] : memref<2x32x79x128xi32, #tpu.memory_space<hbm>> -> memref<1x1x1x128xi32, #tpu.memory_space<hbm>>
      %dma_start3A_58 = tpu.memref_squeeze %dma_start3A_57 : memref<1x1x1x128xi32, #tpu.memory_space<hbm>> -> memref<128xi32, #tpu.memory_space<hbm>>
      tpu.enqueue_dma source(%dma_start3A_58 : memref<128xi32, #tpu.memory_space<hbm>>) target(%arg5 : memref<128xi32, #tpu.memory_space<vmem>>) target_semaphore(%run_scoped3A_52 : memref<!tpu.dma_semaphore, #tpu.memory_space<semaphore_mem>>)
      %dma_wait3A = arith.constant 0 : i32
      %dma_wait3A_59 = tpu.memref_slice %arg2[%run_scoped3A_26, %add3A, %run_scoped3A_27, %dma_wait3A] : memref<2x32x79x128xi32, #tpu.memory_space<hbm>> -> memref<1x1x1x128xi32, #tpu.memory_space<hbm>>
      %dma_wait3A_60 = tpu.memref_squeeze %dma_wait3A_59 : memref<1x1x1x128xi32, #tpu.memory_space<hbm>> -> memref<128xi32, #tpu.memory_space<hbm>>
      %dma_wait3A_61 = arith.constant 0 : i32
      %dma_wait3A_62 = tpu.memref_slice %arg2[%run_scoped3A_26, %add3A, %run_scoped3A_27, %dma_wait3A_61] : memref<2x32x79x128xi32, #tpu.memory_space<hbm>> -> memref<1x1x1x128xi32, #tpu.memory_space<hbm>>
      %dma_wait3A_63 = tpu.memref_squeeze %dma_wait3A_62 : memref<1x1x1x128xi32, #tpu.memory_space<hbm>> -> memref<128xi32, #tpu.memory_space<hbm>>
      tpu.wait_dma2 semaphore(%run_scoped3A_52 : memref<!tpu.dma_semaphore, #tpu.memory_space<semaphore_mem>>) src(%dma_wait3A_63 : memref<128xi32, #tpu.memory_space<hbm>>) dst(%arg5 : memref<128xi32, #tpu.memory_space<vmem>>)
      tpu.yield
    }) : () -> ()
    %dma_start3A = arith.constant 0 : i32
    %dma_start3A_28 = arith.constant 0 : i32
    %dma_start3A_29 = tpu.memref_slice %arg3[%dma_start3A, %dma_start3A_28] : memref<10240x128xf32, #tpu.memory_space<hbm>> -> memref<10240x128xf32, #tpu.memory_space<hbm>>
    tpu.enqueue_indirect_dma source(%dma_start3A_29 : memref<10240x128xf32, #tpu.memory_space<hbm>>) target(%arg8 : memref<128x128xf32, #tpu.memory_space<vmem>>) offsets(%arg5 : memref<128xi32, #tpu.memory_space<vmem>>) semaphore(%arg11 : memref<!tpu.dma_semaphore, #tpu.memory_space<semaphore_mem>>)
    %dma_start3A_30 = arith.constant 0 : i32
    %dma_start3A_31 = arith.constant 1 : i32
    %dma_start3A_32 = arith.constant 0 : i32
    %dma_start3A_33 = tpu.memref_slice %arg2[%dma_start3A_30, %add3A, %dma_start3A_31, %dma_start3A_32] : memref<2x32x79x128xi32, #tpu.memory_space<hbm>> -> memref<1x1x1x128xi32, #tpu.memory_space<hbm>>
    %dma_start3A_34 = tpu.memref_squeeze %dma_start3A_33 : memref<1x1x1x128xi32, #tpu.memory_space<hbm>> -> memref<128xi32, #tpu.memory_space<hbm>>
    %dma_start3A_35 = arith.constant 0 : i32
    %dma_start3A_36 = tpu.memref_slice %arg2[%dma_start3A_30, %add3A, %dma_start3A_31, %dma_start3A_35] : memref<2x32x79x128xi32, #tpu.memory_space<hbm>> -> memref<1x1x1x128xi32, #tpu.memory_space<hbm>>
    %dma_start3A_37 = tpu.memref_squeeze %dma_start3A_36 : memref<1x1x1x128xi32, #tpu.memory_space<hbm>> -> memref<128xi32, #tpu.memory_space<hbm>>
    tpu.enqueue_dma source(%dma_start3A_37 : memref<128xi32, #tpu.memory_space<hbm>>) target(%arg6 : memref<128xi32, #tpu.memory_space<vmem>>) target_semaphore(%arg14 : memref<!tpu.dma_semaphore, #tpu.memory_space<semaphore_mem>>)
    %scan3A_38 = arith.constant 0 : i32
    %scan3A_39 = arith.constant 0 : i32
    %scan3A_40 = arith.constant 40 : i32
    %scan3A_41 = arith.addi %scan3A_39, %scan3A_40 : i32
    %scan3A_42 = arith.constant 1 : i32
    scf.for %scan3A_52 = %scan3A_39 to %scan3A_41 step %scan3A_42  : i32 {
      %mul3A_53 = arith.constant 2 : i32
      %mul3A_54 = arith.muli %mul3A_53, %scan3A_52 : i32
      %add3A_55 = arith.constant 1 : i32
      %add3A_56 = arith.addi %mul3A_54, %add3A_55 : i32
      %lt3A = arith.constant 79 : i32
      %lt3A_57 = arith.cmpi slt, %add3A_56, %lt3A : i32
      %convert_element_type3A = arith.extui %lt3A_57 : i1 to i32
      %cond3A = arith.constant 0 : i32
      %cond3A_58 = arith.cmpi ne, %convert_element_type3A, %cond3A : i32
      scf.if %cond3A_58 {
        %add3A_82 = arith.constant 1 : i32
        %add3A_83 = arith.addi %mul3A_54, %add3A_82 : i32
        %dma_wait3A_84 = arith.constant 0 : i32
        %dma_wait3A_85 = arith.constant 0 : i32
        %dma_wait3A_86 = tpu.memref_slice %arg2[%dma_wait3A_84, %add3A, %add3A_83, %dma_wait3A_85] : memref<2x32x79x128xi32, #tpu.memory_space<hbm>> -> memref<1x1x1x128xi32, #tpu.memory_space<hbm>>
        %dma_wait3A_87 = tpu.memref_squeeze %dma_wait3A_86 : memref<1x1x1x128xi32, #tpu.memory_space<hbm>> -> memref<128xi32, #tpu.memory_space<hbm>>
        %dma_wait3A_88 = arith.constant 0 : i32
        %dma_wait3A_89 = tpu.memref_slice %arg2[%dma_wait3A_84, %add3A, %add3A_83, %dma_wait3A_88] : memref<2x32x79x128xi32, #tpu.memory_space<hbm>> -> memref<1x1x1x128xi32, #tpu.memory_space<hbm>>
        %dma_wait3A_90 = tpu.memref_squeeze %dma_wait3A_89 : memref<1x1x1x128xi32, #tpu.memory_space<hbm>> -> memref<128xi32, #tpu.memory_space<hbm>>
        tpu.wait_dma2 semaphore(%arg14 : memref<!tpu.dma_semaphore, #tpu.memory_space<semaphore_mem>>) src(%dma_wait3A_90 : memref<128xi32, #tpu.memory_space<hbm>>) dst(%arg6 : memref<128xi32, #tpu.memory_space<vmem>>)
        %dma_start3A_91 = arith.constant 0 : i32
        %dma_start3A_92 = arith.constant 0 : i32
        %dma_start3A_93 = tpu.memref_slice %arg3[%dma_start3A_91, %dma_start3A_92] : memref<10240x128xf32, #tpu.memory_space<hbm>> -> memref<10240x128xf32, #tpu.memory_space<hbm>>
        tpu.enqueue_indirect_dma source(%dma_start3A_93 : memref<10240x128xf32, #tpu.memory_space<hbm>>) target(%arg9 : memref<128x128xf32, #tpu.memory_space<vmem>>) offsets(%arg6 : memref<128xi32, #tpu.memory_space<vmem>>) semaphore(%arg12 : memref<!tpu.dma_semaphore, #tpu.memory_space<semaphore_mem>>)
      } else {
      }
      %dma_wait3A = arith.constant 0 : i32
      %dma_wait3A_59 = arith.constant 0 : i32
      %dma_wait3A_60 = tpu.memref_slice %arg3[%dma_wait3A, %dma_wait3A_59] : memref<10240x128xf32, #tpu.memory_space<hbm>> -> memref<10240x128xf32, #tpu.memory_space<hbm>>
      tpu.wait_indirect_dma semaphore(%arg11 : memref<!tpu.dma_semaphore, #tpu.memory_space<semaphore_mem>>) src(%dma_wait3A_60 : memref<10240x128xf32, #tpu.memory_space<hbm>>) dst(%arg8 : memref<128x128xf32, #tpu.memory_space<vmem>>)
      %add3A_61 = arith.constant 2 : i32
      %add3A_62 = arith.addi %mul3A_54, %add3A_61 : i32
      %lt3A_63 = arith.constant 79 : i32
      %lt3A_64 = arith.cmpi slt, %add3A_62, %lt3A_63 : i32
      %convert_element_type3A_65 = arith.extui %lt3A_64 : i1 to i32
      %cond3A_66 = arith.constant 0 : i32
      %cond3A_67 = arith.cmpi ne, %convert_element_type3A_65, %cond3A_66 : i32
      scf.if %cond3A_67 {
        %add3A_82 = arith.constant 2 : i32
        %add3A_83 = arith.addi %mul3A_54, %add3A_82 : i32
        %dma_start3A_84 = arith.constant 0 : i32
        %dma_start3A_85 = arith.constant 0 : i32
        %dma_start3A_86 = tpu.memref_slice %arg2[%dma_start3A_84, %add3A, %add3A_83, %dma_start3A_85] : memref<2x32x79x128xi32, #tpu.memory_space<hbm>> -> memref<1x1x1x128xi32, #tpu.memory_space<hbm>>
        %dma_start3A_87 = tpu.memref_squeeze %dma_start3A_86 : memref<1x1x1x128xi32, #tpu.memory_space<hbm>> -> memref<128xi32, #tpu.memory_space<hbm>>
        %dma_start3A_88 = arith.constant 0 : i32
        %dma_start3A_89 = tpu.memref_slice %arg2[%dma_start3A_84, %add3A, %add3A_83, %dma_start3A_88] : memref<2x32x79x128xi32, #tpu.memory_space<hbm>> -> memref<1x1x1x128xi32, #tpu.memory_space<hbm>>
        %dma_start3A_90 = tpu.memref_squeeze %dma_start3A_89 : memref<1x1x1x128xi32, #tpu.memory_space<hbm>> -> memref<128xi32, #tpu.memory_space<hbm>>
        tpu.enqueue_dma source(%dma_start3A_90 : memref<128xi32, #tpu.memory_space<hbm>>) target(%arg5 : memref<128xi32, #tpu.memory_space<vmem>>) target_semaphore(%arg13 : memref<!tpu.dma_semaphore, #tpu.memory_space<semaphore_mem>>)
      } else {
      }
      "tpu.region"() ({
        %run_scoped3A_82 = tpu.sem_alloc : memref<!tpu.dma_semaphore, #tpu.memory_space<semaphore_mem>>
        %dma_start3A_83 = arith.constant 0 : i32
        %dma_start3A_84 = tpu.memref_slice %arg7[%mul3A_54, %dma_start3A_83] : memref<79x128xi32, #tpu.memory_space<vmem>> -> memref<1x128xi32, #tpu.memory_space<vmem>>
        %dma_start3A_85 = tpu.memref_squeeze %dma_start3A_84 : memref<1x128xi32, #tpu.memory_space<vmem>> -> memref<128xi32, #tpu.memory_space<vmem>>
        %dma_start3A_86 = arith.constant 0 : i32
        %dma_start3A_87 = arith.constant 0 : i32
        %dma_start3A_88 = tpu.memref_slice %arg10[%dma_start3A_86, %dma_start3A_87] : memref<10240x128xf32, #tpu.memory_space<vmem_shared>> -> memref<10240x128xf32, #tpu.memory_space<vmem_shared>>
        tpu.enqueue_indirect_dma source(%arg8 : memref<128x128xf32, #tpu.memory_space<vmem>>) target(%dma_start3A_88 : memref<10240x128xf32, #tpu.memory_space<vmem_shared>>) offsets(%dma_start3A_85 : memref<128xi32, #tpu.memory_space<vmem>>) semaphore(%run_scoped3A_82 : memref<!tpu.dma_semaphore, #tpu.memory_space<semaphore_mem>>) {add = true}
        %dma_wait3A_89 = arith.constant 0 : i32
        %dma_wait3A_90 = tpu.memref_slice %arg7[%mul3A_54, %dma_wait3A_89] : memref<79x128xi32, #tpu.memory_space<vmem>> -> memref<1x128xi32, #tpu.memory_space<vmem>>
        %dma_wait3A_91 = tpu.memref_squeeze %dma_wait3A_90 : memref<1x128xi32, #tpu.memory_space<vmem>> -> memref<128xi32, #tpu.memory_space<vmem>>
        %dma_wait3A_92 = arith.constant 0 : i32
        %dma_wait3A_93 = arith.constant 0 : i32
        %dma_wait3A_94 = tpu.memref_slice %arg10[%dma_wait3A_92, %dma_wait3A_93] : memref<10240x128xf32, #tpu.memory_space<vmem_shared>> -> memref<10240x128xf32, #tpu.memory_space<vmem_shared>>
        tpu.wait_indirect_dma semaphore(%run_scoped3A_82 : memref<!tpu.dma_semaphore, #tpu.memory_space<semaphore_mem>>) src(%arg8 : memref<128x128xf32, #tpu.memory_space<vmem>>) dst(%dma_wait3A_94 : memref<10240x128xf32, #tpu.memory_space<vmem_shared>>)
        tpu.yield
      }) : () -> ()
      %add3A_68 = arith.constant 2 : i32
      %add3A_69 = arith.addi %mul3A_54, %add3A_68 : i32
      %lt3A_70 = arith.constant 79 : i32
      %lt3A_71 = arith.cmpi slt, %add3A_69, %lt3A_70 : i32
      %convert_element_type3A_72 = arith.extui %lt3A_71 : i1 to i32
      %cond3A_73 = arith.constant 0 : i32
      %cond3A_74 = arith.cmpi ne, %convert_element_type3A_72, %cond3A_73 : i32
      scf.if %cond3A_74 {
        %add3A_82 = arith.constant 2 : i32
        %add3A_83 = arith.addi %mul3A_54, %add3A_82 : i32
        %dma_wait3A_84 = arith.constant 0 : i32
        %dma_wait3A_85 = arith.constant 0 : i32
        %dma_wait3A_86 = tpu.memref_slice %arg2[%dma_wait3A_84, %add3A, %add3A_83, %dma_wait3A_85] : memref<2x32x79x128xi32, #tpu.memory_space<hbm>> -> memref<1x1x1x128xi32, #tpu.memory_space<hbm>>
        %dma_wait3A_87 = tpu.memref_squeeze %dma_wait3A_86 : memref<1x1x1x128xi32, #tpu.memory_space<hbm>> -> memref<128xi32, #tpu.memory_space<hbm>>
        %dma_wait3A_88 = arith.constant 0 : i32
        %dma_wait3A_89 = tpu.memref_slice %arg2[%dma_wait3A_84, %add3A, %add3A_83, %dma_wait3A_88] : memref<2x32x79x128xi32, #tpu.memory_space<hbm>> -> memref<1x1x1x128xi32, #tpu.memory_space<hbm>>
        %dma_wait3A_90 = tpu.memref_squeeze %dma_wait3A_89 : memref<1x1x1x128xi32, #tpu.memory_space<hbm>> -> memref<128xi32, #tpu.memory_space<hbm>>
        tpu.wait_dma2 semaphore(%arg13 : memref<!tpu.dma_semaphore, #tpu.memory_space<semaphore_mem>>) src(%dma_wait3A_90 : memref<128xi32, #tpu.memory_space<hbm>>) dst(%arg5 : memref<128xi32, #tpu.memory_space<vmem>>)
        %dma_start3A_91 = arith.constant 0 : i32
        %dma_start3A_92 = arith.constant 0 : i32
        %dma_start3A_93 = tpu.memref_slice %arg3[%dma_start3A_91, %dma_start3A_92] : memref<10240x128xf32, #tpu.memory_space<hbm>> -> memref<10240x128xf32, #tpu.memory_space<hbm>>
        tpu.enqueue_indirect_dma source(%dma_start3A_93 : memref<10240x128xf32, #tpu.memory_space<hbm>>) target(%arg8 : memref<128x128xf32, #tpu.memory_space<vmem>>) offsets(%arg5 : memref<128xi32, #tpu.memory_space<vmem>>) semaphore(%arg11 : memref<!tpu.dma_semaphore, #tpu.memory_space<semaphore_mem>>)
      } else {
      }
      %add3A_75 = arith.constant 1 : i32
      %add3A_76 = arith.addi %mul3A_54, %add3A_75 : i32
      %lt3A_77 = arith.constant 79 : i32
      %lt3A_78 = arith.cmpi slt, %add3A_76, %lt3A_77 : i32
      %convert_element_type3A_79 = arith.extui %lt3A_78 : i1 to i32
      %cond3A_80 = arith.constant 0 : i32
      %cond3A_81 = arith.cmpi ne, %convert_element_type3A_79, %cond3A_80 : i32
      scf.if %cond3A_81 {
        %dma_wait3A_82 = arith.constant 0 : i32
        %dma_wait3A_83 = arith.constant 0 : i32
        %dma_wait3A_84 = tpu.memref_slice %arg3[%dma_wait3A_82, %dma_wait3A_83] : memref<10240x128xf32, #tpu.memory_space<hbm>> -> memref<10240x128xf32, #tpu.memory_space<hbm>>
        tpu.wait_indirect_dma semaphore(%arg12 : memref<!tpu.dma_semaphore, #tpu.memory_space<semaphore_mem>>) src(%dma_wait3A_84 : memref<10240x128xf32, #tpu.memory_space<hbm>>) dst(%arg9 : memref<128x128xf32, #tpu.memory_space<vmem>>)
        %add3A_85 = arith.constant 3 : i32
        %add3A_86 = arith.addi %mul3A_54, %add3A_85 : i32
        %lt3A_87 = arith.constant 79 : i32
        %lt3A_88 = arith.cmpi slt, %add3A_86, %lt3A_87 : i32
        %convert_element_type3A_89 = arith.extui %lt3A_88 : i1 to i32
        %cond3A_90 = arith.constant 0 : i32
        %cond3A_91 = arith.cmpi ne, %convert_element_type3A_89, %cond3A_90 : i32
        scf.if %cond3A_91 {
          %add3A_94 = arith.constant 3 : i32
          %add3A_95 = arith.addi %mul3A_54, %add3A_94 : i32
          %dma_start3A_96 = arith.constant 0 : i32
          %dma_start3A_97 = arith.constant 0 : i32
          %dma_start3A_98 = tpu.memref_slice %arg2[%dma_start3A_96, %add3A, %add3A_95, %dma_start3A_97] : memref<2x32x79x128xi32, #tpu.memory_space<hbm>> -> memref<1x1x1x128xi32, #tpu.memory_space<hbm>>
          %dma_start3A_99 = tpu.memref_squeeze %dma_start3A_98 : memref<1x1x1x128xi32, #tpu.memory_space<hbm>> -> memref<128xi32, #tpu.memory_space<hbm>>
          %dma_start3A_100 = arith.constant 0 : i32
          %dma_start3A_101 = tpu.memref_slice %arg2[%dma_start3A_96, %add3A, %add3A_95, %dma_start3A_100] : memref<2x32x79x128xi32, #tpu.memory_space<hbm>> -> memref<1x1x1x128xi32, #tpu.memory_space<hbm>>
          %dma_start3A_102 = tpu.memref_squeeze %dma_start3A_101 : memref<1x1x1x128xi32, #tpu.memory_space<hbm>> -> memref<128xi32, #tpu.memory_space<hbm>>
          tpu.enqueue_dma source(%dma_start3A_102 : memref<128xi32, #tpu.memory_space<hbm>>) target(%arg6 : memref<128xi32, #tpu.memory_space<vmem>>) target_semaphore(%arg14 : memref<!tpu.dma_semaphore, #tpu.memory_space<semaphore_mem>>)
        } else {
        }
        %add3A_92 = arith.constant 1 : i32
        %add3A_93 = arith.addi %mul3A_54, %add3A_92 : i32
        "tpu.region"() ({
          %run_scoped3A_94 = tpu.sem_alloc : memref<!tpu.dma_semaphore, #tpu.memory_space<semaphore_mem>>
          %dma_start3A_95 = arith.constant 0 : i32
          %dma_start3A_96 = tpu.memref_slice %arg7[%add3A_93, %dma_start3A_95] : memref<79x128xi32, #tpu.memory_space<vmem>> -> memref<1x128xi32, #tpu.memory_space<vmem>>
          %dma_start3A_97 = tpu.memref_squeeze %dma_start3A_96 : memref<1x128xi32, #tpu.memory_space<vmem>> -> memref<128xi32, #tpu.memory_space<vmem>>
          %dma_start3A_98 = arith.constant 0 : i32
          %dma_start3A_99 = arith.constant 0 : i32
          %dma_start3A_100 = tpu.memref_slice %arg10[%dma_start3A_98, %dma_start3A_99] : memref<10240x128xf32, #tpu.memory_space<vmem_shared>> -> memref<10240x128xf32, #tpu.memory_space<vmem_shared>>
          tpu.enqueue_indirect_dma source(%arg9 : memref<128x128xf32, #tpu.memory_space<vmem>>) target(%dma_start3A_100 : memref<10240x128xf32, #tpu.memory_space<vmem_shared>>) offsets(%dma_start3A_97 : memref<128xi32, #tpu.memory_space<vmem>>) semaphore(%run_scoped3A_94 : memref<!tpu.dma_semaphore, #tpu.memory_space<semaphore_mem>>) {add = true}
          %dma_wait3A_101 = arith.constant 0 : i32
          %dma_wait3A_102 = tpu.memref_slice %arg7[%add3A_93, %dma_wait3A_101] : memref<79x128xi32, #tpu.memory_space<vmem>> -> memref<1x128xi32, #tpu.memory_space<vmem>>
          %dma_wait3A_103 = tpu.memref_squeeze %dma_wait3A_102 : memref<1x128xi32, #tpu.memory_space<vmem>> -> memref<128xi32, #tpu.memory_space<vmem>>
          %dma_wait3A_104 = arith.constant 0 : i32
          %dma_wait3A_105 = arith.constant 0 : i32
          %dma_wait3A_106 = tpu.memref_slice %arg10[%dma_wait3A_104, %dma_wait3A_105] : memref<10240x128xf32, #tpu.memory_space<vmem_shared>> -> memref<10240x128xf32, #tpu.memory_space<vmem_shared>>
          tpu.wait_indirect_dma semaphore(%run_scoped3A_94 : memref<!tpu.dma_semaphore, #tpu.memory_space<semaphore_mem>>) src(%arg9 : memref<128x128xf32, #tpu.memory_space<vmem>>) dst(%dma_wait3A_106 : memref<10240x128xf32, #tpu.memory_space<vmem_shared>>)
          tpu.yield
        }) : () -> ()
      } else {
      }
    }
    %scan3A_43 = arith.constant 40 : i32
    %barrier3A_44 = arith.constant 0 : index
    tpu.barrier barrier_id(%barrier3A_44)
    %mul3A_45 = arith.constant 640 : i32
    %mul3A_46 = arith.muli %arg1, %mul3A_45 : i32
    %mul3A_47 = arith.constant 10240 : i32
    %mul3A_48 = arith.muli %arg0, %mul3A_47 : i32
    %mul3A_49 = arith.constant 640 : i32
    %mul3A_50 = arith.muli %arg1, %mul3A_49 : i32
    %add3A_51 = arith.addi %mul3A_48, %mul3A_50 : i32
    "tpu.region"() ({
      %run_scoped3A_52 = tpu.sem_alloc : memref<!tpu.dma_semaphore, #tpu.memory_space<semaphore_mem>>
      %dma_start3A_53 = arith.constant 0 : i32
      %dma_start3A_54 = tpu.memref_slice %arg4[%add3A_51, %dma_start3A_53] : memref<20480x128xf32, #tpu.memory_space<hbm>> -> memref<640x128xf32, #tpu.memory_space<hbm>>
      %dma_start3A_55 = arith.constant 0 : i32
      %dma_start3A_56 = tpu.memref_slice %arg10[%mul3A_46, %dma_start3A_55] : memref<10240x128xf32, #tpu.memory_space<vmem_shared>> -> memref<640x128xf32, #tpu.memory_space<vmem_shared>>
      tpu.enqueue_dma source(%dma_start3A_56 : memref<640x128xf32, #tpu.memory_space<vmem_shared>>) target(%dma_start3A_54 : memref<640x128xf32, #tpu.memory_space<hbm>>) target_semaphore(%run_scoped3A_52 : memref<!tpu.dma_semaphore, #tpu.memory_space<semaphore_mem>>)
      %dma_wait3A = arith.constant 0 : i32
      %dma_wait3A_57 = tpu.memref_slice %arg4[%add3A_51, %dma_wait3A] : memref<20480x128xf32, #tpu.memory_space<hbm>> -> memref<640x128xf32, #tpu.memory_space<hbm>>
      %dma_wait3A_58 = arith.constant 0 : i32
      %dma_wait3A_59 = tpu.memref_slice %arg10[%mul3A_46, %dma_wait3A_58] : memref<10240x128xf32, #tpu.memory_space<vmem_shared>> -> memref<640x128xf32, #tpu.memory_space<vmem_shared>>
      tpu.wait_dma2 semaphore(%run_scoped3A_52 : memref<!tpu.dma_semaphore, #tpu.memory_space<semaphore_mem>>) src(%dma_wait3A_59 : memref<640x128xf32, #tpu.memory_space<vmem_shared>>) dst(%dma_wait3A_57 : memref<640x128xf32, #tpu.memory_space<hbm>>)
      tpu.yield
    }) : () -> ()
    return
  }
}

#map = affine_map<(d0, d1) -> (0, 0, 0, 0)>
#map1 = affine_map<(d0, d1) -> (0)>
module attributes {stable_mosaic.version = 14 : i64} {
  func.func @_sc_deg(%arg0: i32, %arg1: i32, %arg2: memref<2x32x79x128xi32, #tpu.memory_space<hbm>>, %arg3: memref<20480xf32, #tpu.memory_space<hbm>>, %arg4: memref<79x128xi32, #tpu.memory_space<vmem>>, %arg5: memref<128xf32, #tpu.memory_space<vmem>>, %arg6: memref<640xf32, #tpu.memory_space<vmem>>, %arg7: memref<10240xf32, #tpu.memory_space<vmem_shared>>, %arg8: memref<!tpu.dma_semaphore, #tpu.memory_space<semaphore_mem>>) attributes {dimension_semantics = [#tpu.dimension_semantics<core_parallel>, #tpu.dimension_semantics<subcore_parallel>], iteration_bounds = array<i64: 2, 16>, scalar_prefetch = 0 : i64, scratch_operands = 5 : i64, tpu.core_type = #tpu.core_type<sc_vector_subcore>, window_params = [{transform_indices = #map}, {transform_indices = #map1}]} {
    %mul3A = arith.constant 2 : i32
    %mul3A_0 = arith.muli %arg1, %mul3A : i32
    %add3A = arith.addi %mul3A_0, %arg0 : i32
    %run_scoped3A = arith.constant 1 : i32
    "tpu.region"() ({
      %run_scoped3A_74 = tpu.sem_alloc : memref<!tpu.dma_semaphore, #tpu.memory_space<semaphore_mem>>
      %dma_start3A = arith.constant 0 : i32
      %dma_start3A_75 = arith.constant 0 : i32
      %dma_start3A_76 = tpu.memref_slice %arg2[%run_scoped3A, %add3A, %dma_start3A, %dma_start3A_75] : memref<2x32x79x128xi32, #tpu.memory_space<hbm>> -> memref<1x1x79x128xi32, #tpu.memory_space<hbm>>
      %dma_start3A_77 = tpu.memref_squeeze %dma_start3A_76 : memref<1x1x79x128xi32, #tpu.memory_space<hbm>> -> memref<79x128xi32, #tpu.memory_space<hbm>>
      %dma_start3A_78 = arith.constant 0 : i32
      %dma_start3A_79 = arith.constant 0 : i32
      %dma_start3A_80 = tpu.memref_slice %arg2[%run_scoped3A, %add3A, %dma_start3A_78, %dma_start3A_79] : memref<2x32x79x128xi32, #tpu.memory_space<hbm>> -> memref<1x1x79x128xi32, #tpu.memory_space<hbm>>
      %dma_start3A_81 = tpu.memref_squeeze %dma_start3A_80 : memref<1x1x79x128xi32, #tpu.memory_space<hbm>> -> memref<79x128xi32, #tpu.memory_space<hbm>>
      tpu.enqueue_dma source(%dma_start3A_81 : memref<79x128xi32, #tpu.memory_space<hbm>>) target(%arg4 : memref<79x128xi32, #tpu.memory_space<vmem>>) target_semaphore(%run_scoped3A_74 : memref<!tpu.dma_semaphore, #tpu.memory_space<semaphore_mem>>)
      %dma_wait3A = arith.constant 0 : i32
      %dma_wait3A_82 = arith.constant 0 : i32
      %dma_wait3A_83 = tpu.memref_slice %arg2[%run_scoped3A, %add3A, %dma_wait3A, %dma_wait3A_82] : memref<2x32x79x128xi32, #tpu.memory_space<hbm>> -> memref<1x1x79x128xi32, #tpu.memory_space<hbm>>
      %dma_wait3A_84 = tpu.memref_squeeze %dma_wait3A_83 : memref<1x1x79x128xi32, #tpu.memory_space<hbm>> -> memref<79x128xi32, #tpu.memory_space<hbm>>
      %dma_wait3A_85 = arith.constant 0 : i32
      %dma_wait3A_86 = arith.constant 0 : i32
      %dma_wait3A_87 = tpu.memref_slice %arg2[%run_scoped3A, %add3A, %dma_wait3A_85, %dma_wait3A_86] : memref<2x32x79x128xi32, #tpu.memory_space<hbm>> -> memref<1x1x79x128xi32, #tpu.memory_space<hbm>>
      %dma_wait3A_88 = tpu.memref_squeeze %dma_wait3A_87 : memref<1x1x79x128xi32, #tpu.memory_space<hbm>> -> memref<79x128xi32, #tpu.memory_space<hbm>>
      tpu.wait_dma2 semaphore(%run_scoped3A_74 : memref<!tpu.dma_semaphore, #tpu.memory_space<semaphore_mem>>) src(%dma_wait3A_88 : memref<79x128xi32, #tpu.memory_space<hbm>>) dst(%arg4 : memref<79x128xi32, #tpu.memory_space<vmem>>)
      tpu.yield
    }) : () -> ()
    %broadcast_in_dim3A = arith.constant 1.000000e+00 : f32
    %broadcast_in_dim3A_1 = vector.broadcast %broadcast_in_dim3A : f32 to vector<16xf32>
    %swap3A = arith.constant 0 : index
    %swap3A_2 = tpu.vector_load %arg5[%swap3A] {strides = array<i32>} : memref<128xf32, #tpu.memory_space<vmem>>, vector<16xf32>,
    %swap3A_3 = vector.shape_cast %swap3A_2 : vector<16xf32> to vector<16xf32>
    %swap3A_4 = vector.shape_cast %broadcast_in_dim3A_1 : vector<16xf32> to vector<16xf32>
    tpu.vector_store %arg5[%swap3A], %swap3A_4 {strides = array<i32>} : memref<128xf32, #tpu.memory_space<vmem>>, vector<16xf32>,
    %broadcast_in_dim3A_5 = arith.constant 1.000000e+00 : f32
    %broadcast_in_dim3A_6 = vector.broadcast %broadcast_in_dim3A_5 : f32 to vector<16xf32>
    %swap3A_7 = arith.constant 16 : index
    %swap3A_8 = tpu.vector_load %arg5[%swap3A_7] {strides = array<i32>} : memref<128xf32, #tpu.memory_space<vmem>>, vector<16xf32>,
    %swap3A_9 = vector.shape_cast %swap3A_8 : vector<16xf32> to vector<16xf32>
    %swap3A_10 = vector.shape_cast %broadcast_in_dim3A_6 : vector<16xf32> to vector<16xf32>
    tpu.vector_store %arg5[%swap3A_7], %swap3A_10 {strides = array<i32>} : memref<128xf32, #tpu.memory_space<vmem>>, vector<16xf32>,
    %broadcast_in_dim3A_11 = arith.constant 1.000000e+00 : f32
    %broadcast_in_dim3A_12 = vector.broadcast %broadcast_in_dim3A_11 : f32 to vector<16xf32>
    %swap3A_13 = arith.constant 32 : index
    %swap3A_14 = tpu.vector_load %arg5[%swap3A_13] {strides = array<i32>} : memref<128xf32, #tpu.memory_space<vmem>>, vector<16xf32>,
    %swap3A_15 = vector.shape_cast %swap3A_14 : vector<16xf32> to vector<16xf32>
    %swap3A_16 = vector.shape_cast %broadcast_in_dim3A_12 : vector<16xf32> to vector<16xf32>
    tpu.vector_store %arg5[%swap3A_13], %swap3A_16 {strides = array<i32>} : memref<128xf32, #tpu.memory_space<vmem>>, vector<16xf32>,
    %broadcast_in_dim3A_17 = arith.constant 1.000000e+00 : f32
    %broadcast_in_dim3A_18 = vector.broadcast %broadcast_in_dim3A_17 : f32 to vector<16xf32>
    %swap3A_19 = arith.constant 48 : index
    %swap3A_20 = tpu.vector_load %arg5[%swap3A_19] {strides = array<i32>} : memref<128xf32, #tpu.memory_space<vmem>>, vector<16xf32>,
    %swap3A_21 = vector.shape_cast %swap3A_20 : vector<16xf32> to vector<16xf32>
    %swap3A_22 = vector.shape_cast %broadcast_in_dim3A_18 : vector<16xf32> to vector<16xf32>
    tpu.vector_store %arg5[%swap3A_19], %swap3A_22 {strides = array<i32>} : memref<128xf32, #tpu.memory_space<vmem>>, vector<16xf32>,
    %broadcast_in_dim3A_23 = arith.constant 1.000000e+00 : f32
    %broadcast_in_dim3A_24 = vector.broadcast %broadcast_in_dim3A_23 : f32 to vector<16xf32>
    %swap3A_25 = arith.constant 64 : index
    %swap3A_26 = tpu.vector_load %arg5[%swap3A_25] {strides = array<i32>} : memref<128xf32, #tpu.memory_space<vmem>>, vector<16xf32>,
    %swap3A_27 = vector.shape_cast %swap3A_26 : vector<16xf32> to vector<16xf32>
    %swap3A_28 = vector.shape_cast %broadcast_in_dim3A_24 : vector<16xf32> to vector<16xf32>
    tpu.vector_store %arg5[%swap3A_25], %swap3A_28 {strides = array<i32>} : memref<128xf32, #tpu.memory_space<vmem>>, vector<16xf32>,
    %broadcast_in_dim3A_29 = arith.constant 1.000000e+00 : f32
    %broadcast_in_dim3A_30 = vector.broadcast %broadcast_in_dim3A_29 : f32 to vector<16xf32>
    %swap3A_31 = arith.constant 80 : index
    %swap3A_32 = tpu.vector_load %arg5[%swap3A_31] {strides = array<i32>} : memref<128xf32, #tpu.memory_space<vmem>>, vector<16xf32>,
    %swap3A_33 = vector.shape_cast %swap3A_32 : vector<16xf32> to vector<16xf32>
    %swap3A_34 = vector.shape_cast %broadcast_in_dim3A_30 : vector<16xf32> to vector<16xf32>
    tpu.vector_store %arg5[%swap3A_31], %swap3A_34 {strides = array<i32>} : memref<128xf32, #tpu.memory_space<vmem>>, vector<16xf32>,
    %broadcast_in_dim3A_35 = arith.constant 1.000000e+00 : f32
    %broadcast_in_dim3A_36 = vector.broadcast %broadcast_in_dim3A_35 : f32 to vector<16xf32>
    %swap3A_37 = arith.constant 96 : index
    %swap3A_38 = tpu.vector_load %arg5[%swap3A_37] {strides = array<i32>} : memref<128xf32, #tpu.memory_space<vmem>>, vector<16xf32>,
    %swap3A_39 = vector.shape_cast %swap3A_38 : vector<16xf32> to vector<16xf32>
    %swap3A_40 = vector.shape_cast %broadcast_in_dim3A_36 : vector<16xf32> to vector<16xf32>
    tpu.vector_store %arg5[%swap3A_37], %swap3A_40 {strides = array<i32>} : memref<128xf32, #tpu.memory_space<vmem>>, vector<16xf32>,
    %broadcast_in_dim3A_41 = arith.constant 1.000000e+00 : f32
    %broadcast_in_dim3A_42 = vector.broadcast %broadcast_in_dim3A_41 : f32 to vector<16xf32>
    %swap3A_43 = arith.constant 112 : index
    %swap3A_44 = tpu.vector_load %arg5[%swap3A_43] {strides = array<i32>} : memref<128xf32, #tpu.memory_space<vmem>>, vector<16xf32>,
    %swap3A_45 = vector.shape_cast %swap3A_44 : vector<16xf32> to vector<16xf32>
    %swap3A_46 = vector.shape_cast %broadcast_in_dim3A_42 : vector<16xf32> to vector<16xf32>
    tpu.vector_store %arg5[%swap3A_43], %swap3A_46 {strides = array<i32>} : memref<128xf32, #tpu.memory_space<vmem>>, vector<16xf32>,
    %scan3A = arith.constant 0 : i32
    %scan3A_47 = arith.constant 0 : i32
    %scan3A_48 = arith.constant 40 : i32
    %scan3A_49 = arith.addi %scan3A_47, %scan3A_48 : i32
    %scan3A_50 = arith.constant 1 : i32
    scf.for %scan3A_74 = %scan3A_47 to %scan3A_49 step %scan3A_50  : i32 {
      %broadcast_in_dim3A_75 = arith.constant 0.000000e+00 : f32
      %broadcast_in_dim3A_76 = vector.broadcast %broadcast_in_dim3A_75 : f32 to vector<16xf32>
      %mul3A_77 = arith.constant 16 : i32
      %mul3A_78 = arith.muli %scan3A_74, %mul3A_77 : i32
      %swap3A_79 = arith.index_cast %mul3A_78 : i32 to index
      %swap3A_80 = tpu.vector_load %arg6[%swap3A_79] {strides = array<i32>} : memref<640xf32, #tpu.memory_space<vmem>>, vector<16xf32>,
      %swap3A_81 = vector.shape_cast %swap3A_80 : vector<16xf32> to vector<16xf32>
      %swap3A_82 = vector.shape_cast %broadcast_in_dim3A_76 : vector<16xf32> to vector<16xf32>
      tpu.vector_store %arg6[%swap3A_79], %swap3A_82 {strides = array<i32>} : memref<640xf32, #tpu.memory_space<vmem>>, vector<16xf32>,
    }
    %scan3A_51 = arith.constant 40 : i32
    %mul3A_52 = arith.constant 640 : i32
    %mul3A_53 = arith.muli %arg1, %mul3A_52 : i32
    "tpu.region"() ({
      %run_scoped3A_74 = tpu.sem_alloc : memref<!tpu.dma_semaphore, #tpu.memory_space<semaphore_mem>>
      %dma_start3A = tpu.memref_slice %arg7[%mul3A_53] : memref<10240xf32, #tpu.memory_space<vmem_shared>> -> memref<640xf32, #tpu.memory_space<vmem_shared>>
      %dma_start3A_75 = tpu.memref_slice %arg7[%mul3A_53] : memref<10240xf32, #tpu.memory_space<vmem_shared>> -> memref<640xf32, #tpu.memory_space<vmem_shared>>
      tpu.enqueue_dma source(%arg6 : memref<640xf32, #tpu.memory_space<vmem>>) target(%dma_start3A_75 : memref<640xf32, #tpu.memory_space<vmem_shared>>) target_semaphore(%run_scoped3A_74 : memref<!tpu.dma_semaphore, #tpu.memory_space<semaphore_mem>>)
      %dma_wait3A = tpu.memref_slice %arg7[%mul3A_53] : memref<10240xf32, #tpu.memory_space<vmem_shared>> -> memref<640xf32, #tpu.memory_space<vmem_shared>>
      %dma_wait3A_76 = tpu.memref_slice %arg7[%mul3A_53] : memref<10240xf32, #tpu.memory_space<vmem_shared>> -> memref<640xf32, #tpu.memory_space<vmem_shared>>
      tpu.wait_dma2 semaphore(%run_scoped3A_74 : memref<!tpu.dma_semaphore, #tpu.memory_space<semaphore_mem>>) src(%arg6 : memref<640xf32, #tpu.memory_space<vmem>>) dst(%dma_wait3A_76 : memref<640xf32, #tpu.memory_space<vmem_shared>>)
      tpu.yield
    }) : () -> ()
    %barrier3A = arith.constant 0 : index
    tpu.barrier barrier_id(%barrier3A)
    %scan3A_54 = arith.constant 0 : i32
    %scan3A_55 = arith.constant 0 : i32
    %scan3A_56 = arith.constant 79 : i32
    %scan3A_57 = arith.addi %scan3A_55, %scan3A_56 : i32
    %scan3A_58 = arith.constant 1 : i32
    scf.for %scan3A_74 = %scan3A_55 to %scan3A_57 step %scan3A_58  : i32 {
      %dma_start3A = arith.constant 0 : i32
      %dma_start3A_75 = tpu.memref_slice %arg4[%scan3A_74, %dma_start3A] : memref<79x128xi32, #tpu.memory_space<vmem>> -> memref<1x128xi32, #tpu.memory_space<vmem>>
      %dma_start3A_76 = tpu.memref_squeeze %dma_start3A_75 : memref<1x128xi32, #tpu.memory_space<vmem>> -> memref<128xi32, #tpu.memory_space<vmem>>
      %dma_start3A_77 = arith.constant 0 : i32
      %dma_start3A_78 = tpu.memref_slice %arg7[%dma_start3A_77] : memref<10240xf32, #tpu.memory_space<vmem_shared>> -> memref<10240xf32, #tpu.memory_space<vmem_shared>>
      tpu.enqueue_indirect_dma source(%arg5 : memref<128xf32, #tpu.memory_space<vmem>>) target(%dma_start3A_78 : memref<10240xf32, #tpu.memory_space<vmem_shared>>) offsets(%dma_start3A_76 : memref<128xi32, #tpu.memory_space<vmem>>) semaphore(%arg8 : memref<!tpu.dma_semaphore, #tpu.memory_space<semaphore_mem>>) {add = true}
    }
    %scan3A_59 = arith.constant 79 : i32
    %scan3A_60 = arith.constant 0 : i32
    %scan3A_61 = arith.constant 0 : i32
    %scan3A_62 = arith.constant 79 : i32
    %scan3A_63 = arith.addi %scan3A_61, %scan3A_62 : i32
    %scan3A_64 = arith.constant 1 : i32
    scf.for %scan3A_74 = %scan3A_61 to %scan3A_63 step %scan3A_64  : i32 {
      %dma_wait3A = arith.constant 0 : i32
      %dma_wait3A_75 = tpu.memref_slice %arg4[%scan3A_74, %dma_wait3A] : memref<79x128xi32, #tpu.memory_space<vmem>> -> memref<1x128xi32, #tpu.memory_space<vmem>>
      %dma_wait3A_76 = tpu.memref_squeeze %dma_wait3A_75 : memref<1x128xi32, #tpu.memory_space<vmem>> -> memref<128xi32, #tpu.memory_space<vmem>>
      %dma_wait3A_77 = arith.constant 0 : i32
      %dma_wait3A_78 = tpu.memref_slice %arg7[%dma_wait3A_77] : memref<10240xf32, #tpu.memory_space<vmem_shared>> -> memref<10240xf32, #tpu.memory_space<vmem_shared>>
      tpu.wait_indirect_dma semaphore(%arg8 : memref<!tpu.dma_semaphore, #tpu.memory_space<semaphore_mem>>) src(%arg5 : memref<128xf32, #tpu.memory_space<vmem>>) dst(%dma_wait3A_78 : memref<10240xf32, #tpu.memory_space<vmem_shared>>)
    }
    %scan3A_65 = arith.constant 79 : i32
    %barrier3A_66 = arith.constant 0 : index
    tpu.barrier barrier_id(%barrier3A_66)
    %mul3A_67 = arith.constant 640 : i32
    %mul3A_68 = arith.muli %arg1, %mul3A_67 : i32
    %mul3A_69 = arith.constant 10240 : i32
    %mul3A_70 = arith.muli %arg0, %mul3A_69 : i32
    %mul3A_71 = arith.constant 640 : i32
    %mul3A_72 = arith.muli %arg1, %mul3A_71 : i32
    %add3A_73 = arith.addi %mul3A_70, %mul3A_72 : i32
    "tpu.region"() ({
      %run_scoped3A_74 = tpu.sem_alloc : memref<!tpu.dma_semaphore, #tpu.memory_space<semaphore_mem>>
      %dma_start3A = tpu.memref_slice %arg3[%add3A_73] : memref<20480xf32, #tpu.memory_space<hbm>> -> memref<640xf32, #tpu.memory_space<hbm>>
      %dma_start3A_75 = tpu.memref_slice %arg7[%mul3A_68] : memref<10240xf32, #tpu.memory_space<vmem_shared>> -> memref<640xf32, #tpu.memory_space<vmem_shared>>
      tpu.enqueue_dma source(%dma_start3A_75 : memref<640xf32, #tpu.memory_space<vmem_shared>>) target(%dma_start3A : memref<640xf32, #tpu.memory_space<hbm>>) target_semaphore(%run_scoped3A_74 : memref<!tpu.dma_semaphore, #tpu.memory_space<semaphore_mem>>)
      %dma_wait3A = tpu.memref_slice %arg3[%add3A_73] : memref<20480xf32, #tpu.memory_space<hbm>> -> memref<640xf32, #tpu.memory_space<hbm>>
      %dma_wait3A_76 = tpu.memref_slice %arg7[%mul3A_68] : memref<10240xf32, #tpu.memory_space<vmem_shared>> -> memref<640xf32, #tpu.memory_space<vmem_shared>>
      tpu.wait_dma2 semaphore(%run_scoped3A_74 : memref<!tpu.dma_semaphore, #tpu.memory_space<semaphore_mem>>) src(%dma_wait3A_76 : memref<640xf32, #tpu.memory_space<vmem_shared>>) dst(%dma_wait3A : memref<640xf32, #tpu.memory_space<hbm>>)
      tpu.yield
    }) : () -> ()
    return
  }
}

#map = affine_map<(d0, d1) -> (0, 0, 0, 0)>
#map1 = affine_map<(d0, d1) -> (0)>
module attributes {stable_mosaic.version = 14 : i64} {
  func.func @_sc_sagg(%arg0: i32, %arg1: i32, %arg2: memref<2x32x79x128xi32, #tpu.memory_space<hbm>>, %arg3: memref<10240xf32, #tpu.memory_space<hbm>>, %arg4: memref<20480xf32, #tpu.memory_space<hbm>>, %arg5: memref<79x128xi32, #tpu.memory_space<vmem>>, %arg6: memref<79x128xi32, #tpu.memory_space<vmem>>, %arg7: memref<640xf32, #tpu.memory_space<vmem>>, %arg8: memref<79x128xf32, #tpu.memory_space<vmem>>, %arg9: memref<10240xf32, #tpu.memory_space<vmem_shared>>, %arg10: memref<10240xf32, #tpu.memory_space<vmem_shared>>, %arg11: memref<!tpu.dma_semaphore, #tpu.memory_space<semaphore_mem>>, %arg12: memref<!tpu.dma_semaphore, #tpu.memory_space<semaphore_mem>>) attributes {dimension_semantics = [#tpu.dimension_semantics<core_parallel>, #tpu.dimension_semantics<subcore_parallel>], iteration_bounds = array<i64: 2, 16>, scalar_prefetch = 0 : i64, scratch_operands = 8 : i64, tpu.core_type = #tpu.core_type<sc_vector_subcore>, window_params = [{transform_indices = #map}, {transform_indices = #map1}, {transform_indices = #map1}]} {
    %mul3A = arith.constant 2 : i32
    %mul3A_0 = arith.muli %arg1, %mul3A : i32
    %add3A = arith.addi %mul3A_0, %arg0 : i32
    %run_scoped3A = arith.constant 0 : i32
    "tpu.region"() ({
      %run_scoped3A_45 = tpu.sem_alloc : memref<!tpu.dma_semaphore, #tpu.memory_space<semaphore_mem>>
      %dma_start3A = arith.constant 0 : i32
      %dma_start3A_46 = arith.constant 0 : i32
      %dma_start3A_47 = tpu.memref_slice %arg2[%run_scoped3A, %add3A, %dma_start3A, %dma_start3A_46] : memref<2x32x79x128xi32, #tpu.memory_space<hbm>> -> memref<1x1x79x128xi32, #tpu.memory_space<hbm>>
      %dma_start3A_48 = tpu.memref_squeeze %dma_start3A_47 : memref<1x1x79x128xi32, #tpu.memory_space<hbm>> -> memref<79x128xi32, #tpu.memory_space<hbm>>
      %dma_start3A_49 = arith.constant 0 : i32
      %dma_start3A_50 = arith.constant 0 : i32
      %dma_start3A_51 = tpu.memref_slice %arg2[%run_scoped3A, %add3A, %dma_start3A_49, %dma_start3A_50] : memref<2x32x79x128xi32, #tpu.memory_space<hbm>> -> memref<1x1x79x128xi32, #tpu.memory_space<hbm>>
      %dma_start3A_52 = tpu.memref_squeeze %dma_start3A_51 : memref<1x1x79x128xi32, #tpu.memory_space<hbm>> -> memref<79x128xi32, #tpu.memory_space<hbm>>
      tpu.enqueue_dma source(%dma_start3A_52 : memref<79x128xi32, #tpu.memory_space<hbm>>) target(%arg5 : memref<79x128xi32, #tpu.memory_space<vmem>>) target_semaphore(%run_scoped3A_45 : memref<!tpu.dma_semaphore, #tpu.memory_space<semaphore_mem>>)
      %dma_wait3A = arith.constant 0 : i32
      %dma_wait3A_53 = arith.constant 0 : i32
      %dma_wait3A_54 = tpu.memref_slice %arg2[%run_scoped3A, %add3A, %dma_wait3A, %dma_wait3A_53] : memref<2x32x79x128xi32, #tpu.memory_space<hbm>> -> memref<1x1x79x128xi32, #tpu.memory_space<hbm>>
      %dma_wait3A_55 = tpu.memref_squeeze %dma_wait3A_54 : memref<1x1x79x128xi32, #tpu.memory_space<hbm>> -> memref<79x128xi32, #tpu.memory_space<hbm>>
      %dma_wait3A_56 = arith.constant 0 : i32
      %dma_wait3A_57 = arith.constant 0 : i32
      %dma_wait3A_58 = tpu.memref_slice %arg2[%run_scoped3A, %add3A, %dma_wait3A_56, %dma_wait3A_57] : memref<2x32x79x128xi32, #tpu.memory_space<hbm>> -> memref<1x1x79x128xi32, #tpu.memory_space<hbm>>
      %dma_wait3A_59 = tpu.memref_squeeze %dma_wait3A_58 : memref<1x1x79x128xi32, #tpu.memory_space<hbm>> -> memref<79x128xi32, #tpu.memory_space<hbm>>
      tpu.wait_dma2 semaphore(%run_scoped3A_45 : memref<!tpu.dma_semaphore, #tpu.memory_space<semaphore_mem>>) src(%dma_wait3A_59 : memref<79x128xi32, #tpu.memory_space<hbm>>) dst(%arg5 : memref<79x128xi32, #tpu.memory_space<vmem>>)
      tpu.yield
    }) : () -> ()
    %run_scoped3A_1 = arith.constant 1 : i32
    "tpu.region"() ({
      %run_scoped3A_45 = tpu.sem_alloc : memref<!tpu.dma_semaphore, #tpu.memory_space<semaphore_mem>>
      %dma_start3A = arith.constant 0 : i32
      %dma_start3A_46 = arith.constant 0 : i32
      %dma_start3A_47 = tpu.memref_slice %arg2[%run_scoped3A_1, %add3A, %dma_start3A, %dma_start3A_46] : memref<2x32x79x128xi32, #tpu.memory_space<hbm>> -> memref<1x1x79x128xi32, #tpu.memory_space<hbm>>
      %dma_start3A_48 = tpu.memref_squeeze %dma_start3A_47 : memref<1x1x79x128xi32, #tpu.memory_space<hbm>> -> memref<79x128xi32, #tpu.memory_space<hbm>>
      %dma_start3A_49 = arith.constant 0 : i32
      %dma_start3A_50 = arith.constant 0 : i32
      %dma_start3A_51 = tpu.memref_slice %arg2[%run_scoped3A_1, %add3A, %dma_start3A_49, %dma_start3A_50] : memref<2x32x79x128xi32, #tpu.memory_space<hbm>> -> memref<1x1x79x128xi32, #tpu.memory_space<hbm>>
      %dma_start3A_52 = tpu.memref_squeeze %dma_start3A_51 : memref<1x1x79x128xi32, #tpu.memory_space<hbm>> -> memref<79x128xi32, #tpu.memory_space<hbm>>
      tpu.enqueue_dma source(%dma_start3A_52 : memref<79x128xi32, #tpu.memory_space<hbm>>) target(%arg6 : memref<79x128xi32, #tpu.memory_space<vmem>>) target_semaphore(%run_scoped3A_45 : memref<!tpu.dma_semaphore, #tpu.memory_space<semaphore_mem>>)
      %dma_wait3A = arith.constant 0 : i32
      %dma_wait3A_53 = arith.constant 0 : i32
      %dma_wait3A_54 = tpu.memref_slice %arg2[%run_scoped3A_1, %add3A, %dma_wait3A, %dma_wait3A_53] : memref<2x32x79x128xi32, #tpu.memory_space<hbm>> -> memref<1x1x79x128xi32, #tpu.memory_space<hbm>>
      %dma_wait3A_55 = tpu.memref_squeeze %dma_wait3A_54 : memref<1x1x79x128xi32, #tpu.memory_space<hbm>> -> memref<79x128xi32, #tpu.memory_space<hbm>>
      %dma_wait3A_56 = arith.constant 0 : i32
      %dma_wait3A_57 = arith.constant 0 : i32
      %dma_wait3A_58 = tpu.memref_slice %arg2[%run_scoped3A_1, %add3A, %dma_wait3A_56, %dma_wait3A_57] : memref<2x32x79x128xi32, #tpu.memory_space<hbm>> -> memref<1x1x79x128xi32, #tpu.memory_space<hbm>>
      %dma_wait3A_59 = tpu.memref_squeeze %dma_wait3A_58 : memref<1x1x79x128xi32, #tpu.memory_space<hbm>> -> memref<79x128xi32, #tpu.memory_space<hbm>>
      tpu.wait_dma2 semaphore(%run_scoped3A_45 : memref<!tpu.dma_semaphore, #tpu.memory_space<semaphore_mem>>) src(%dma_wait3A_59 : memref<79x128xi32, #tpu.memory_space<hbm>>) dst(%arg6 : memref<79x128xi32, #tpu.memory_space<vmem>>)
      tpu.yield
    }) : () -> ()
    %mul3A_2 = arith.constant 640 : i32
    %mul3A_3 = arith.muli %arg1, %mul3A_2 : i32
    "tpu.region"() ({
      %run_scoped3A_45 = tpu.sem_alloc : memref<!tpu.dma_semaphore, #tpu.memory_space<semaphore_mem>>
      %dma_start3A = tpu.memref_slice %arg3[%mul3A_3] : memref<10240xf32, #tpu.memory_space<hbm>> -> memref<640xf32, #tpu.memory_space<hbm>>
      %dma_start3A_46 = tpu.memref_slice %arg3[%mul3A_3] : memref<10240xf32, #tpu.memory_space<hbm>> -> memref<640xf32, #tpu.memory_space<hbm>>
      tpu.enqueue_dma source(%dma_start3A_46 : memref<640xf32, #tpu.memory_space<hbm>>) target(%arg7 : memref<640xf32, #tpu.memory_space<vmem>>) target_semaphore(%run_scoped3A_45 : memref<!tpu.dma_semaphore, #tpu.memory_space<semaphore_mem>>)
      %dma_wait3A = tpu.memref_slice %arg3[%mul3A_3] : memref<10240xf32, #tpu.memory_space<hbm>> -> memref<640xf32, #tpu.memory_space<hbm>>
      %dma_wait3A_47 = tpu.memref_slice %arg3[%mul3A_3] : memref<10240xf32, #tpu.memory_space<hbm>> -> memref<640xf32, #tpu.memory_space<hbm>>
      tpu.wait_dma2 semaphore(%run_scoped3A_45 : memref<!tpu.dma_semaphore, #tpu.memory_space<semaphore_mem>>) src(%dma_wait3A_47 : memref<640xf32, #tpu.memory_space<hbm>>) dst(%arg7 : memref<640xf32, #tpu.memory_space<vmem>>)
      tpu.yield
    }) : () -> ()
    %mul3A_4 = arith.constant 640 : i32
    %mul3A_5 = arith.muli %arg1, %mul3A_4 : i32
    "tpu.region"() ({
      %run_scoped3A_45 = tpu.sem_alloc : memref<!tpu.dma_semaphore, #tpu.memory_space<semaphore_mem>>
      %dma_start3A = tpu.memref_slice %arg9[%mul3A_5] : memref<10240xf32, #tpu.memory_space<vmem_shared>> -> memref<640xf32, #tpu.memory_space<vmem_shared>>
      %dma_start3A_46 = tpu.memref_slice %arg9[%mul3A_5] : memref<10240xf32, #tpu.memory_space<vmem_shared>> -> memref<640xf32, #tpu.memory_space<vmem_shared>>
      tpu.enqueue_dma source(%arg7 : memref<640xf32, #tpu.memory_space<vmem>>) target(%dma_start3A_46 : memref<640xf32, #tpu.memory_space<vmem_shared>>) target_semaphore(%run_scoped3A_45 : memref<!tpu.dma_semaphore, #tpu.memory_space<semaphore_mem>>)
      %dma_wait3A = tpu.memref_slice %arg9[%mul3A_5] : memref<10240xf32, #tpu.memory_space<vmem_shared>> -> memref<640xf32, #tpu.memory_space<vmem_shared>>
      %dma_wait3A_47 = tpu.memref_slice %arg9[%mul3A_5] : memref<10240xf32, #tpu.memory_space<vmem_shared>> -> memref<640xf32, #tpu.memory_space<vmem_shared>>
      tpu.wait_dma2 semaphore(%run_scoped3A_45 : memref<!tpu.dma_semaphore, #tpu.memory_space<semaphore_mem>>) src(%arg7 : memref<640xf32, #tpu.memory_space<vmem>>) dst(%dma_wait3A_47 : memref<640xf32, #tpu.memory_space<vmem_shared>>)
      tpu.yield
    }) : () -> ()
    %scan3A = arith.constant 0 : i32
    %scan3A_6 = arith.constant 0 : i32
    %scan3A_7 = arith.constant 40 : i32
    %scan3A_8 = arith.addi %scan3A_6, %scan3A_7 : i32
    %scan3A_9 = arith.constant 1 : i32
    scf.for %scan3A_45 = %scan3A_6 to %scan3A_8 step %scan3A_9  : i32 {
      %broadcast_in_dim3A = arith.constant 0.000000e+00 : f32
      %broadcast_in_dim3A_46 = vector.broadcast %broadcast_in_dim3A : f32 to vector<16xf32>
      %mul3A_47 = arith.constant 16 : i32
      %mul3A_48 = arith.muli %scan3A_45, %mul3A_47 : i32
      %swap3A = arith.index_cast %mul3A_48 : i32 to index
      %swap3A_49 = tpu.vector_load %arg7[%swap3A] {strides = array<i32>} : memref<640xf32, #tpu.memory_space<vmem>>, vector<16xf32>,
      %swap3A_50 = vector.shape_cast %swap3A_49 : vector<16xf32> to vector<16xf32>
      %swap3A_51 = vector.shape_cast %broadcast_in_dim3A_46 : vector<16xf32> to vector<16xf32>
      tpu.vector_store %arg7[%swap3A], %swap3A_51 {strides = array<i32>} : memref<640xf32, #tpu.memory_space<vmem>>, vector<16xf32>,
    }
    %scan3A_10 = arith.constant 40 : i32
    %mul3A_11 = arith.constant 640 : i32
    %mul3A_12 = arith.muli %arg1, %mul3A_11 : i32
    "tpu.region"() ({
      %run_scoped3A_45 = tpu.sem_alloc : memref<!tpu.dma_semaphore, #tpu.memory_space<semaphore_mem>>
      %dma_start3A = tpu.memref_slice %arg10[%mul3A_12] : memref<10240xf32, #tpu.memory_space<vmem_shared>> -> memref<640xf32, #tpu.memory_space<vmem_shared>>
      %dma_start3A_46 = tpu.memref_slice %arg10[%mul3A_12] : memref<10240xf32, #tpu.memory_space<vmem_shared>> -> memref<640xf32, #tpu.memory_space<vmem_shared>>
      tpu.enqueue_dma source(%arg7 : memref<640xf32, #tpu.memory_space<vmem>>) target(%dma_start3A_46 : memref<640xf32, #tpu.memory_space<vmem_shared>>) target_semaphore(%run_scoped3A_45 : memref<!tpu.dma_semaphore, #tpu.memory_space<semaphore_mem>>)
      %dma_wait3A = tpu.memref_slice %arg10[%mul3A_12] : memref<10240xf32, #tpu.memory_space<vmem_shared>> -> memref<640xf32, #tpu.memory_space<vmem_shared>>
      %dma_wait3A_47 = tpu.memref_slice %arg10[%mul3A_12] : memref<10240xf32, #tpu.memory_space<vmem_shared>> -> memref<640xf32, #tpu.memory_space<vmem_shared>>
      tpu.wait_dma2 semaphore(%run_scoped3A_45 : memref<!tpu.dma_semaphore, #tpu.memory_space<semaphore_mem>>) src(%arg7 : memref<640xf32, #tpu.memory_space<vmem>>) dst(%dma_wait3A_47 : memref<640xf32, #tpu.memory_space<vmem_shared>>)
      tpu.yield
    }) : () -> ()
    %barrier3A = arith.constant 0 : index
    tpu.barrier barrier_id(%barrier3A)
    %scan3A_13 = arith.constant 0 : i32
    %scan3A_14 = arith.constant 0 : i32
    %scan3A_15 = arith.constant 79 : i32
    %scan3A_16 = arith.addi %scan3A_14, %scan3A_15 : i32
    %scan3A_17 = arith.constant 1 : i32
    scf.for %scan3A_45 = %scan3A_14 to %scan3A_16 step %scan3A_17  : i32 {
      %dma_start3A = arith.constant 0 : i32
      %dma_start3A_46 = tpu.memref_slice %arg8[%scan3A_45, %dma_start3A] : memref<79x128xf32, #tpu.memory_space<vmem>> -> memref<1x128xf32, #tpu.memory_space<vmem>>
      %dma_start3A_47 = tpu.memref_squeeze %dma_start3A_46 : memref<1x128xf32, #tpu.memory_space<vmem>> -> memref<128xf32, #tpu.memory_space<vmem>>
      %dma_start3A_48 = arith.constant 0 : i32
      %dma_start3A_49 = tpu.memref_slice %arg5[%scan3A_45, %dma_start3A_48] : memref<79x128xi32, #tpu.memory_space<vmem>> -> memref<1x128xi32, #tpu.memory_space<vmem>>
      %dma_start3A_50 = tpu.memref_squeeze %dma_start3A_49 : memref<1x128xi32, #tpu.memory_space<vmem>> -> memref<128xi32, #tpu.memory_space<vmem>>
      %dma_start3A_51 = arith.constant 0 : i32
      %dma_start3A_52 = tpu.memref_slice %arg9[%dma_start3A_51] : memref<10240xf32, #tpu.memory_space<vmem_shared>> -> memref<10240xf32, #tpu.memory_space<vmem_shared>>
      tpu.enqueue_indirect_dma source(%dma_start3A_52 : memref<10240xf32, #tpu.memory_space<vmem_shared>>) target(%dma_start3A_47 : memref<128xf32, #tpu.memory_space<vmem>>) offsets(%dma_start3A_50 : memref<128xi32, #tpu.memory_space<vmem>>) semaphore(%arg11 : memref<!tpu.dma_semaphore, #tpu.memory_space<semaphore_mem>>)
    }
    %scan3A_18 = arith.constant 79 : i32
    %scan3A_19 = arith.constant 0 : i32
    %scan3A_20 = arith.constant 0 : i32
    %scan3A_21 = arith.constant 79 : i32
    %scan3A_22 = arith.addi %scan3A_20, %scan3A_21 : i32
    %scan3A_23 = arith.constant 1 : i32
    scf.for %scan3A_45 = %scan3A_20 to %scan3A_22 step %scan3A_23  : i32 {
      %dma_wait3A = arith.constant 0 : i32
      %dma_wait3A_46 = tpu.memref_slice %arg8[%scan3A_45, %dma_wait3A] : memref<79x128xf32, #tpu.memory_space<vmem>> -> memref<1x128xf32, #tpu.memory_space<vmem>>
      %dma_wait3A_47 = tpu.memref_squeeze %dma_wait3A_46 : memref<1x128xf32, #tpu.memory_space<vmem>> -> memref<128xf32, #tpu.memory_space<vmem>>
      %dma_wait3A_48 = arith.constant 0 : i32
      %dma_wait3A_49 = tpu.memref_slice %arg5[%scan3A_45, %dma_wait3A_48] : memref<79x128xi32, #tpu.memory_space<vmem>> -> memref<1x128xi32, #tpu.memory_space<vmem>>
      %dma_wait3A_50 = tpu.memref_squeeze %dma_wait3A_49 : memref<1x128xi32, #tpu.memory_space<vmem>> -> memref<128xi32, #tpu.memory_space<vmem>>
      %dma_wait3A_51 = arith.constant 0 : i32
      %dma_wait3A_52 = tpu.memref_slice %arg9[%dma_wait3A_51] : memref<10240xf32, #tpu.memory_space<vmem_shared>> -> memref<10240xf32, #tpu.memory_space<vmem_shared>>
      tpu.wait_indirect_dma semaphore(%arg11 : memref<!tpu.dma_semaphore, #tpu.memory_space<semaphore_mem>>) src(%dma_wait3A_52 : memref<10240xf32, #tpu.memory_space<vmem_shared>>) dst(%dma_wait3A_47 : memref<128xf32, #tpu.memory_space<vmem>>)
    }
    %scan3A_24 = arith.constant 79 : i32
    %scan3A_25 = arith.constant 0 : i32
    %scan3A_26 = arith.constant 0 : i32
    %scan3A_27 = arith.constant 79 : i32
    %scan3A_28 = arith.addi %scan3A_26, %scan3A_27 : i32
    %scan3A_29 = arith.constant 1 : i32
    scf.for %scan3A_45 = %scan3A_26 to %scan3A_28 step %scan3A_29  : i32 {
      %dma_start3A = arith.constant 0 : i32
      %dma_start3A_46 = tpu.memref_slice %arg8[%scan3A_45, %dma_start3A] : memref<79x128xf32, #tpu.memory_space<vmem>> -> memref<1x128xf32, #tpu.memory_space<vmem>>
      %dma_start3A_47 = tpu.memref_squeeze %dma_start3A_46 : memref<1x128xf32, #tpu.memory_space<vmem>> -> memref<128xf32, #tpu.memory_space<vmem>>
      %dma_start3A_48 = arith.constant 0 : i32
      %dma_start3A_49 = tpu.memref_slice %arg6[%scan3A_45, %dma_start3A_48] : memref<79x128xi32, #tpu.memory_space<vmem>> -> memref<1x128xi32, #tpu.memory_space<vmem>>
      %dma_start3A_50 = tpu.memref_squeeze %dma_start3A_49 : memref<1x128xi32, #tpu.memory_space<vmem>> -> memref<128xi32, #tpu.memory_space<vmem>>
      %dma_start3A_51 = arith.constant 0 : i32
      %dma_start3A_52 = tpu.memref_slice %arg10[%dma_start3A_51] : memref<10240xf32, #tpu.memory_space<vmem_shared>> -> memref<10240xf32, #tpu.memory_space<vmem_shared>>
      tpu.enqueue_indirect_dma source(%dma_start3A_47 : memref<128xf32, #tpu.memory_space<vmem>>) target(%dma_start3A_52 : memref<10240xf32, #tpu.memory_space<vmem_shared>>) offsets(%dma_start3A_50 : memref<128xi32, #tpu.memory_space<vmem>>) semaphore(%arg12 : memref<!tpu.dma_semaphore, #tpu.memory_space<semaphore_mem>>) {add = true}
    }
    %scan3A_30 = arith.constant 79 : i32
    %scan3A_31 = arith.constant 0 : i32
    %scan3A_32 = arith.constant 0 : i32
    %scan3A_33 = arith.constant 79 : i32
    %scan3A_34 = arith.addi %scan3A_32, %scan3A_33 : i32
    %scan3A_35 = arith.constant 1 : i32
    scf.for %scan3A_45 = %scan3A_32 to %scan3A_34 step %scan3A_35  : i32 {
      %dma_wait3A = arith.constant 0 : i32
      %dma_wait3A_46 = tpu.memref_slice %arg8[%scan3A_45, %dma_wait3A] : memref<79x128xf32, #tpu.memory_space<vmem>> -> memref<1x128xf32, #tpu.memory_space<vmem>>
      %dma_wait3A_47 = tpu.memref_squeeze %dma_wait3A_46 : memref<1x128xf32, #tpu.memory_space<vmem>> -> memref<128xf32, #tpu.memory_space<vmem>>
      %dma_wait3A_48 = arith.constant 0 : i32
      %dma_wait3A_49 = tpu.memref_slice %arg6[%scan3A_45, %dma_wait3A_48] : memref<79x128xi32, #tpu.memory_space<vmem>> -> memref<1x128xi32, #tpu.memory_space<vmem>>
      %dma_wait3A_50 = tpu.memref_squeeze %dma_wait3A_49 : memref<1x128xi32, #tpu.memory_space<vmem>> -> memref<128xi32, #tpu.memory_space<vmem>>
      %dma_wait3A_51 = arith.constant 0 : i32
      %dma_wait3A_52 = tpu.memref_slice %arg10[%dma_wait3A_51] : memref<10240xf32, #tpu.memory_space<vmem_shared>> -> memref<10240xf32, #tpu.memory_space<vmem_shared>>
      tpu.wait_indirect_dma semaphore(%arg12 : memref<!tpu.dma_semaphore, #tpu.memory_space<semaphore_mem>>) src(%dma_wait3A_47 : memref<128xf32, #tpu.memory_space<vmem>>) dst(%dma_wait3A_52 : memref<10240xf32, #tpu.memory_space<vmem_shared>>)
    }
    %scan3A_36 = arith.constant 79 : i32
    %barrier3A_37 = arith.constant 0 : index
    tpu.barrier barrier_id(%barrier3A_37)
    %mul3A_38 = arith.constant 640 : i32
    %mul3A_39 = arith.muli %arg1, %mul3A_38 : i32
    %mul3A_40 = arith.constant 10240 : i32
    %mul3A_41 = arith.muli %arg0, %mul3A_40 : i32
    %mul3A_42 = arith.constant 640 : i32
    %mul3A_43 = arith.muli %arg1, %mul3A_42 : i32
    %add3A_44 = arith.addi %mul3A_41, %mul3A_43 : i32
    "tpu.region"() ({
      %run_scoped3A_45 = tpu.sem_alloc : memref<!tpu.dma_semaphore, #tpu.memory_space<semaphore_mem>>
      %dma_start3A = tpu.memref_slice %arg4[%add3A_44] : memref<20480xf32, #tpu.memory_space<hbm>> -> memref<640xf32, #tpu.memory_space<hbm>>
      %dma_start3A_46 = tpu.memref_slice %arg10[%mul3A_39] : memref<10240xf32, #tpu.memory_space<vmem_shared>> -> memref<640xf32, #tpu.memory_space<vmem_shared>>
      tpu.enqueue_dma source(%dma_start3A_46 : memref<640xf32, #tpu.memory_space<vmem_shared>>) target(%dma_start3A : memref<640xf32, #tpu.memory_space<hbm>>) target_semaphore(%run_scoped3A_45 : memref<!tpu.dma_semaphore, #tpu.memory_space<semaphore_mem>>)
      %dma_wait3A = tpu.memref_slice %arg4[%add3A_44] : memref<20480xf32, #tpu.memory_space<hbm>> -> memref<640xf32, #tpu.memory_space<hbm>>
      %dma_wait3A_47 = tpu.memref_slice %arg10[%mul3A_39] : memref<10240xf32, #tpu.memory_space<vmem_shared>> -> memref<640xf32, #tpu.memory_space<vmem_shared>>
      tpu.wait_dma2 semaphore(%run_scoped3A_45 : memref<!tpu.dma_semaphore, #tpu.memory_space<semaphore_mem>>) src(%dma_wait3A_47 : memref<640xf32, #tpu.memory_space<vmem_shared>>) dst(%dma_wait3A : memref<640xf32, #tpu.memory_space<hbm>>)
      tpu.yield
    }) : () -> ()
    return
  }
}

module attributes {stable_mosaic.version = 14 : i64} {
  func.func @_tc_scale_body(%arg0: i32, %arg1: memref<10240x128xf32, #tpu.memory_space<vmem>>, %arg2: memref<80x128xf32, #tpu.memory_space<vmem>>, %arg3: memref<80x128xf32, #tpu.memory_space<vmem>>, %arg4: memref<10240x128xf32, #tpu.memory_space<vmem>>, %arg5: memref<80x128xf32, #tpu.memory_space<vmem>>) attributes {dimension_semantics = [#tpu.dimension_semantics<arbitrary>], iteration_bounds = array<i64: 1>, scalar_prefetch = 0 : i64, scratch_operands = 0 : i64, tpu.core_type = #tpu.core_type<tc>, window_params = [{pipeline_mode = #tpu.pipeline_mode<synchronous>, transform_indices = @transform_0, window_bounds = array<i64: 10240, 128>}, {transform_indices = @transform_1, window_bounds = array<i64: 80, 128>}, {transform_indices = @transform_2, window_bounds = array<i64: 80, 128>}, {pipeline_mode = #tpu.pipeline_mode<synchronous>, transform_indices = @transform_3, window_bounds = array<i64: 10240, 128>}, {pipeline_mode = #tpu.pipeline_mode<synchronous>, transform_indices = @transform_4, window_bounds = array<i64: 80, 128>}]} {
    %get3A = arith.constant 0 : index
    %get3A_0 = arith.constant 0 : index
    %get3A_1 = vector.load %arg2[%get3A, %get3A_0] : memref<80x128xf32, #tpu.memory_space<vmem>>, vector<80x128xf32>
    %get3A_2 = arith.constant 0 : index
    %get3A_3 = arith.constant 0 : index
    %get3A_4 = vector.load %arg3[%get3A_2, %get3A_3] : memref<80x128xf32, #tpu.memory_space<vmem>>, vector<80x128xf32>
    %add3A = arith.addf %get3A_1, %get3A_4 : vector<80x128xf32>
    %add3A_5 = arith.constant 1.000000e+00 : f32
    %add3A_6 = vector.broadcast %add3A_5 : f32 to vector<80x128xf32>
    %add3A_7 = arith.addf %add3A, %add3A_6 : vector<80x128xf32>
    %rsqrt3A = math.rsqrt %add3A_7 : vector<80x128xf32>
    %swap3A = arith.constant 0 : index
    %swap3A_8 = arith.constant 0 : index
    %swap3A_9 = vector.load %arg5[%swap3A, %swap3A_8] : memref<80x128xf32, #tpu.memory_space<vmem>>, vector<80x128xf32>
    tpu.vector_store %arg5[%swap3A, %swap3A_8], %rsqrt3A {strides = array<i32>} : memref<80x128xf32, #tpu.memory_space<vmem>>, vector<80x128xf32>,
    %reshape3A = vector.shape_cast %rsqrt3A : vector<80x128xf32> to vector<1x10240xf32>
    %transpose3A = tpu.transpose %reshape3A, [1, 0] : vector<1x10240xf32> -> vector<10240x1xf32>
    %get3A_10 = arith.constant 0 : index
    %get3A_11 = arith.constant 0 : index
    %get3A_12 = vector.load %arg1[%get3A_10, %get3A_11] : memref<10240x128xf32, #tpu.memory_space<vmem>>, vector<10240x128xf32>
    %mul3A = vector.broadcast %transpose3A : vector<10240x1xf32> to vector<10240x128xf32>
    %mul3A_13 = arith.mulf %get3A_12, %mul3A : vector<10240x128xf32>
    %swap3A_14 = arith.constant 0 : index
    %swap3A_15 = arith.constant 0 : index
    %swap3A_16 = vector.load %arg4[%swap3A_14, %swap3A_15] : memref<10240x128xf32, #tpu.memory_space<vmem>>, vector<10240x128xf32>
    tpu.vector_store %arg4[%swap3A_14, %swap3A_15], %mul3A_13 {strides = array<i32>} : memref<10240x128xf32, #tpu.memory_space<vmem>>, vector<10240x128xf32>,
    return
  }
  func.func @transform_0(%arg0: i32) -> (i32, i32) {
    %c0_i32 = arith.constant 0 : i32
    %c0_i32_0 = arith.constant 0 : i32
    %c0_i32_1 = arith.constant 0 : i32
    return %c0_i32, %c0_i32_0 : i32, i32
  }
  func.func @transform_1(%arg0: i32) -> (i32, i32) {
    %c0_i32 = arith.constant 0 : i32
    %c0_i32_0 = arith.constant 0 : i32
    %c0_i32_1 = arith.constant 0 : i32
    return %c0_i32, %c0_i32_0 : i32, i32
  }
  func.func @transform_2(%arg0: i32) -> (i32, i32) {
    %c1_i32 = arith.constant 1 : i32
    %c0_i32 = arith.constant 0 : i32
    %c0_i32_0 = arith.constant 0 : i32
    return %c1_i32, %c0_i32 : i32, i32
  }
  func.func @transform_3(%arg0: i32) -> (i32, i32) {
    %c0_i32 = arith.constant 0 : i32
    %c0_i32_0 = arith.constant 0 : i32
    %c0_i32_1 = arith.constant 0 : i32
    return %c0_i32, %c0_i32_0 : i32, i32
  }
  func.func @transform_4(%arg0: i32) -> (i32, i32) {
    %c0_i32 = arith.constant 0 : i32
    %c0_i32_0 = arith.constant 0 : i32
    %c0_i32_1 = arith.constant 0 : i32
    return %c0_i32, %c0_i32_0 : i32, i32
  }
}

module attributes {stable_mosaic.version = 14 : i64} {
  func.func @_tc_encode_body(%arg0: i32, %arg1: memref<1024x128xf32, #tpu.memory_space<vmem>>, %arg2: memref<1024x128xf32, #tpu.memory_space<vmem>>, %arg3: memref<1024x128xf32, #tpu.memory_space<vmem>>, %arg4: memref<8x128xf32, #tpu.memory_space<vmem>>, %arg5: memref<128x512xf32, #tpu.memory_space<vmem>>, %arg6: memref<1x512xf32, #tpu.memory_space<vmem>>, %arg7: memref<512x128xf32, #tpu.memory_space<vmem>>, %arg8: memref<1024x512xf32, #tpu.memory_space<vmem>>, %arg9: memref<8x128xf32, #tpu.memory_space<vmem>>, %arg10: memref<8x128xf32, #tpu.memory_space<vmem>>) attributes {dimension_semantics = [#tpu.dimension_semantics<arbitrary>], iteration_bounds = array<i64: 10>, scalar_prefetch = 0 : i64, scratch_operands = 0 : i64, tpu.core_type = #tpu.core_type<tc>, window_params = [{transform_indices = @transform_0, window_bounds = array<i64: 1024, 128>}, {transform_indices = @transform_1, window_bounds = array<i64: 1024, 128>}, {transform_indices = @transform_2, window_bounds = array<i64: 1024, 128>}, {transform_indices = @transform_3, window_bounds = array<i64: 8, 128>}, {pipeline_mode = #tpu.pipeline_mode<synchronous>, transform_indices = @transform_4, window_bounds = array<i64: 128, 512>}, {pipeline_mode = #tpu.pipeline_mode<synchronous>, transform_indices = @transform_5, window_bounds = array<i64: 1, 512>}, {pipeline_mode = #tpu.pipeline_mode<synchronous>, transform_indices = @transform_6, window_bounds = array<i64: 512, 128>}, {transform_indices = @transform_7, window_bounds = array<i64: 1024, 512>}, {transform_indices = @transform_8, window_bounds = array<i64: 8, 128>}, {transform_indices = @transform_9, window_bounds = array<i64: 8, 128>}]} {
    %get3A = arith.constant 0 : index
    %get3A_0 = arith.constant 0 : index
    %get3A_1 = vector.load %arg4[%get3A, %get3A_0] : memref<8x128xf32, #tpu.memory_space<vmem>>, vector<8x128xf32>
    %reshape3A = vector.shape_cast %get3A_1 : vector<8x128xf32> to vector<1x1024xf32>
    %transpose3A = tpu.transpose %reshape3A, [1, 0] : vector<1x1024xf32> -> vector<1024x1xf32>
    %get3A_2 = arith.constant 0 : index
    %get3A_3 = arith.constant 0 : index
    %get3A_4 = vector.load %arg1[%get3A_2, %get3A_3] : memref<1024x128xf32, #tpu.memory_space<vmem>>, vector<1024x128xf32>
    %get3A_5 = arith.constant 0 : index
    %get3A_6 = arith.constant 0 : index
    %get3A_7 = vector.load %arg2[%get3A_5, %get3A_6] : memref<1024x128xf32, #tpu.memory_space<vmem>>, vector<1024x128xf32>
    %add3A = arith.addf %get3A_4, %get3A_7 : vector<1024x128xf32>
    %mul3A = vector.broadcast %transpose3A : vector<1024x1xf32> to vector<1024x128xf32>
    %mul3A_8 = arith.mulf %add3A, %mul3A : vector<1024x128xf32>
    %get3A_9 = arith.constant 0 : index
    %get3A_10 = arith.constant 0 : index
    %get3A_11 = vector.load %arg3[%get3A_9, %get3A_10] : memref<1024x128xf32, #tpu.memory_space<vmem>>, vector<1024x128xf32>
    %mul3A_12 = arith.mulf %transpose3A, %transpose3A : vector<1024x1xf32>
    %mul3A_13 = vector.broadcast %mul3A_12 : vector<1024x1xf32> to vector<1024x128xf32>
    %mul3A_14 = arith.mulf %get3A_11, %mul3A_13 : vector<1024x128xf32>
    %add3A_15 = arith.addf %mul3A_8, %mul3A_14 : vector<1024x128xf32>
    %get3A_16 = arith.constant 0 : index
    %get3A_17 = arith.constant 0 : index
    %get3A_18 = vector.load %arg5[%get3A_16, %get3A_17] : memref<128x512xf32, #tpu.memory_space<vmem>>, vector<128x512xf32>
    %dot_general3A = arith.constant dense<0.000000e+00> : vector<1024x512xf32>
    %dot_general3A_19 = tpu.matmul %add3A_15, %get3A_18, %dot_general3A {dimension_numbers = #tpu.dot_dimension_numbers<[1], [0], [0], [1], [0, 0, 1, 1], [], []>, transpose_lhs_hint = false} : vector<1024x128xf32>, vector<128x512xf32>, vector<1024x512xf32> -> vector<1024x512xf32>
    %get3A_20 = arith.constant 0 : index
    %get3A_21 = arith.constant 0 : index
    %get3A_22 = vector.load %arg6[%get3A_20, %get3A_21] : memref<1x512xf32, #tpu.memory_space<vmem>>, vector<1x512xf32>
    %add3A_23 = vector.broadcast %get3A_22 : vector<1x512xf32> to vector<1024x512xf32>
    %add3A_24 = arith.addf %dot_general3A_19, %add3A_23 : vector<1024x512xf32>
    %max3A = arith.constant 0.000000e+00 : f32
    %max3A_25 = vector.broadcast %max3A : f32 to vector<1024x512xf32>
    %max3A_26 = arith.maximumf %add3A_24, %max3A_25 : vector<1024x512xf32>
    %swap3A = arith.constant 0 : index
    %swap3A_27 = arith.constant 0 : index
    %swap3A_28 = vector.load %arg8[%swap3A, %swap3A_27] : memref<1024x512xf32, #tpu.memory_space<vmem>>, vector<1024x512xf32>
    tpu.vector_store %arg8[%swap3A, %swap3A_27], %max3A_26 {strides = array<i32>} : memref<1024x512xf32, #tpu.memory_space<vmem>>, vector<1024x512xf32>,
    %get3A_29 = arith.constant 0 : index
    %get3A_30 = arith.constant 0 : index
    %get3A_31 = vector.load %arg7[%get3A_29, %get3A_30] : memref<512x128xf32, #tpu.memory_space<vmem>>, vector<512x128xf32>
    %dot_general3A_32 = arith.constant dense<0.000000e+00> : vector<1024x128xf32>
    %dot_general3A_33 = tpu.matmul %max3A_26, %get3A_31, %dot_general3A_32 {dimension_numbers = #tpu.dot_dimension_numbers<[1], [0], [0], [1], [0, 0, 1, 1], [], []>, transpose_lhs_hint = false} : vector<1024x512xf32>, vector<512x128xf32>, vector<1024x128xf32> -> vector<1024x128xf32>
    %slice3A = vector.extract_strided_slice %dot_general3A_33 {offsets = [0, 0], sizes = [1024, 1], strides = [1, 1]} : vector<1024x128xf32> to vector<1024x1xf32>
    %transpose3A_34 = tpu.transpose %slice3A, [1, 0] : vector<1024x1xf32> -> vector<1x1024xf32>
    %reshape3A_35 = vector.shape_cast %transpose3A_34 : vector<1x1024xf32> to vector<8x128xf32>
    %swap3A_36 = arith.constant 0 : index
    %swap3A_37 = arith.constant 0 : index
    %swap3A_38 = vector.load %arg9[%swap3A_36, %swap3A_37] : memref<8x128xf32, #tpu.memory_space<vmem>>, vector<8x128xf32>
    tpu.vector_store %arg9[%swap3A_36, %swap3A_37], %reshape3A_35 {strides = array<i32>} : memref<8x128xf32, #tpu.memory_space<vmem>>, vector<8x128xf32>,
    %slice3A_39 = vector.extract_strided_slice %dot_general3A_33 {offsets = [0, 1], sizes = [1024, 1], strides = [1, 1]} : vector<1024x128xf32> to vector<1024x1xf32>
    %transpose3A_40 = tpu.transpose %slice3A_39, [1, 0] : vector<1024x1xf32> -> vector<1x1024xf32>
    %reshape3A_41 = vector.shape_cast %transpose3A_40 : vector<1x1024xf32> to vector<8x128xf32>
    %swap3A_42 = arith.constant 0 : index
    %swap3A_43 = arith.constant 0 : index
    %swap3A_44 = vector.load %arg10[%swap3A_42, %swap3A_43] : memref<8x128xf32, #tpu.memory_space<vmem>>, vector<8x128xf32>
    tpu.vector_store %arg10[%swap3A_42, %swap3A_43], %reshape3A_41 {strides = array<i32>} : memref<8x128xf32, #tpu.memory_space<vmem>>, vector<8x128xf32>,
    return
  }
  func.func @transform_0(%arg0: i32) -> (i32, i32) {
    %c0_i32 = arith.constant 0 : i32
    %c0_i32_0 = arith.constant 0 : i32
    return %arg0, %c0_i32 : i32, i32
  }
  func.func @transform_1(%arg0: i32) -> (i32, i32) {
    %add3A = arith.constant 10 : i32
    %add3A_0 = arith.addi %arg0, %add3A : i32
    %c0_i32 = arith.constant 0 : i32
    %c0_i32_1 = arith.constant 0 : i32
    return %add3A_0, %c0_i32 : i32, i32
  }
  func.func @transform_2(%arg0: i32) -> (i32, i32) {
    %c0_i32 = arith.constant 0 : i32
    %c0_i32_0 = arith.constant 0 : i32
    return %arg0, %c0_i32 : i32, i32
  }
  func.func @transform_3(%arg0: i32) -> (i32, i32) {
    %c0_i32 = arith.constant 0 : i32
    %c0_i32_0 = arith.constant 0 : i32
    return %arg0, %c0_i32 : i32, i32
  }
  func.func @transform_4(%arg0: i32) -> (i32, i32) {
    %c0_i32 = arith.constant 0 : i32
    %c0_i32_0 = arith.constant 0 : i32
    %c0_i32_1 = arith.constant 0 : i32
    return %c0_i32, %c0_i32_0 : i32, i32
  }
  func.func @transform_5(%arg0: i32) -> (i32, i32) {
    %c0_i32 = arith.constant 0 : i32
    %c0_i32_0 = arith.constant 0 : i32
    %c0_i32_1 = arith.constant 0 : i32
    return %c0_i32, %c0_i32_0 : i32, i32
  }
  func.func @transform_6(%arg0: i32) -> (i32, i32) {
    %c0_i32 = arith.constant 0 : i32
    %c0_i32_0 = arith.constant 0 : i32
    %c0_i32_1 = arith.constant 0 : i32
    return %c0_i32, %c0_i32_0 : i32, i32
  }
  func.func @transform_7(%arg0: i32) -> (i32, i32) {
    %c0_i32 = arith.constant 0 : i32
    %c0_i32_0 = arith.constant 0 : i32
    return %arg0, %c0_i32 : i32, i32
  }
  func.func @transform_8(%arg0: i32) -> (i32, i32) {
    %c0_i32 = arith.constant 0 : i32
    %c0_i32_0 = arith.constant 0 : i32
    return %arg0, %c0_i32 : i32, i32
  }
  func.func @transform_9(%arg0: i32) -> (i32, i32) {
    %c0_i32 = arith.constant 0 : i32
    %c0_i32_0 = arith.constant 0 : i32
    return %arg0, %c0_i32 : i32, i32
  }
}

module attributes {stable_mosaic.version = 14 : i64} {
  func.func @_tc_final_body(%arg0: i32, %arg1: memref<1024x512xf32, #tpu.memory_space<vmem>>, %arg2: memref<80x128xf32, #tpu.memory_space<vmem>>, %arg3: memref<80x128xf32, #tpu.memory_space<vmem>>, %arg4: memref<80x128xf32, #tpu.memory_space<vmem>>, %arg5: memref<80x128xi32, #tpu.memory_space<vmem>>, %arg6: memref<80x128xf32, #tpu.memory_space<vmem>>, %arg7: memref<1x512xf32, #tpu.memory_space<vmem>>, %arg8: memref<1x512xf32, #tpu.memory_space<vmem>>, %arg9: memref<512x128xf32, #tpu.memory_space<vmem>>, %arg10: memref<1x128xf32, #tpu.memory_space<vmem>>, %arg11: memref<64x128xf32, #tpu.memory_space<vmem>>, %arg12: memref<80x128xf32, #tpu.memory_space<vmem>>, %arg13: memref<64x128xf32, #tpu.memory_space<vmem>>, %arg14: memref<64x512xf32, #tpu.memory_space<vmem>>, %arg15: memref<8x512xf32, #tpu.memory_space<vmem>>) attributes {dimension_semantics = [#tpu.dimension_semantics<arbitrary>], iteration_bounds = array<i64: 10>, scalar_prefetch = 0 : i64, scratch_operands = 4 : i64, tpu.core_type = #tpu.core_type<tc>, window_params = [{transform_indices = @transform_0, window_bounds = array<i64: 1024, 512>}, {pipeline_mode = #tpu.pipeline_mode<synchronous>, transform_indices = @transform_1, window_bounds = array<i64: 80, 128>}, {transform_indices = @transform_2, window_bounds = array<i64: 80, 128>}, {transform_indices = @transform_3, window_bounds = array<i64: 80, 128>}, {pipeline_mode = #tpu.pipeline_mode<synchronous>, transform_indices = @transform_4, window_bounds = array<i64: 80, 128>}, {pipeline_mode = #tpu.pipeline_mode<synchronous>, transform_indices = @transform_5, window_bounds = array<i64: 80, 128>}, {pipeline_mode = #tpu.pipeline_mode<synchronous>, transform_indices = @transform_6, window_bounds = array<i64: 1, 512>}, {pipeline_mode = #tpu.pipeline_mode<synchronous>, transform_indices = @transform_7, window_bounds = array<i64: 1, 512>}, {pipeline_mode = #tpu.pipeline_mode<synchronous>, transform_indices = @transform_8, window_bounds = array<i64: 512, 128>}, {pipeline_mode = #tpu.pipeline_mode<synchronous>, transform_indices = @transform_9, window_bounds = array<i64: 1, 128>}, {pipeline_mode = #tpu.pipeline_mode<synchronous>, transform_indices = @transform_10, window_bounds = array<i64: 64, 128>}]} {
    %eq3A = arith.constant 0 : i32
    %eq3A_0 = arith.cmpi eq, %arg0, %eq3A : i32
    %convert_element_type3A = arith.extui %eq3A_0 : i1 to i32
    %cond3A = arith.constant 0 : i32
    %cond3A_1 = arith.cmpi ne, %convert_element_type3A, %cond3A : i32
    scf.if %cond3A_1 {
      %get3A_42 = arith.constant 0 : index
      %get3A_43 = arith.constant 0 : index
      %get3A_44 = vector.load %arg2[%get3A_42, %get3A_43] : memref<80x128xf32, #tpu.memory_space<vmem>>, vector<80x128xf32>
      %get3A_45 = arith.constant 0 : index
      %get3A_46 = arith.constant 0 : index
      %get3A_47 = vector.load %arg3[%get3A_45, %get3A_46] : memref<80x128xf32, #tpu.memory_space<vmem>>, vector<80x128xf32>
      %add3A_48 = arith.addf %get3A_44, %get3A_47 : vector<80x128xf32>
      %get3A_49 = arith.constant 0 : index
      %get3A_50 = arith.constant 0 : index
      %get3A_51 = vector.load %arg4[%get3A_49, %get3A_50] : memref<80x128xf32, #tpu.memory_space<vmem>>, vector<80x128xf32>
      %add3A_52 = arith.addf %add3A_48, %get3A_51 : vector<80x128xf32>
      %get3A_53 = arith.constant 0 : index
      %get3A_54 = arith.constant 0 : index
      %get3A_55 = vector.load %arg6[%get3A_53, %get3A_54] : memref<80x128xf32, #tpu.memory_space<vmem>>, vector<80x128xf32>
      %add3A_56 = arith.addf %add3A_52, %get3A_55 : vector<80x128xf32>
      %eq3A_57 = arith.constant 0.000000e+00 : f32
      %eq3A_58 = vector.broadcast %eq3A_57 : f32 to vector<80x128xf32>
      %eq3A_59 = arith.cmpf oeq, %add3A_56, %eq3A_58 : vector<80x128xf32>
      %jit3A_60 = arith.constant 0.000000e+00 : f32
      %broadcast_in_dim3A_61 = vector.broadcast %jit3A_60 : f32 to vector<80x128xf32>
      %select_n3A_62 = arith.select %eq3A_59, %broadcast_in_dim3A_61, %add3A_56 : vector<80x128xi1>, vector<80x128xf32>
      %reshape3A_63 = vector.shape_cast %select_n3A_62 : vector<80x128xf32> to vector<1x10240xf32>
      %get3A_64 = arith.constant 0 : index
      %get3A_65 = arith.constant 0 : index
      %get3A_66 = vector.load %arg5[%get3A_64, %get3A_65] : memref<80x128xi32, #tpu.memory_space<vmem>>, vector<80x128xi32>
      %reshape3A_67 = vector.shape_cast %get3A_66 : vector<80x128xi32> to vector<1x10240xi32>
      %iota3A_68 = tpu.iota {dimensions = array<i32: 0>} : vector<64x1xi32>
      %eq3A_69 = vector.broadcast %reshape3A_67 : vector<1x10240xi32> to vector<64x10240xi32>
      %eq3A_70 = vector.broadcast %iota3A_68 : vector<64x1xi32> to vector<64x10240xi32>
      %eq3A_71 = arith.cmpi eq, %eq3A_69, %eq3A_70 : vector<64x10240xi32>
      %jit3A_72 = arith.constant 1.000000e+00 : f32
      %jit3A_73 = arith.constant 0.000000e+00 : f32
      %broadcast_in_dim3A_74 = vector.broadcast %jit3A_72 : f32 to vector<64x10240xf32>
      %broadcast_in_dim3A_75 = vector.broadcast %jit3A_73 : f32 to vector<64x10240xf32>
      %select_n3A_76 = arith.select %eq3A_71, %broadcast_in_dim3A_74, %broadcast_in_dim3A_75 : vector<64x10240xi1>, vector<64x10240xf32>
      %reduce_sum3A_77 = arith.constant dense<0.000000e+00> : vector<64xf32>
      %reduce_sum3A_78 = vector.multi_reduction <add>, %select_n3A_76, %reduce_sum3A_77 [1] : vector<64x10240xf32> to vector<64xf32>
      %broadcast_in_dim3A_79 = vector.shape_cast %reduce_sum3A_78 : vector<64xf32> to vector<64x1xf32>
      %add3A_80 = arith.constant 1.000000e+00 : f32
      %add3A_81 = vector.broadcast %add3A_80 : f32 to vector<64x1xf32>
      %add3A_82 = arith.addf %broadcast_in_dim3A_79, %add3A_81 : vector<64x1xf32>
      %mul3A_83 = arith.constant 5.000000e-01 : f32
      %mul3A_84 = vector.broadcast %mul3A_83 : f32 to vector<64x1xf32>
      %mul3A_85 = arith.mulf %add3A_82, %mul3A_84 : vector<64x1xf32>
      %floor3A = math.floor %mul3A_85 : vector<64x1xf32>
      %bitcast_convert_type3A = tpu.bitcast %reshape3A_63 : vector<1x10240xf32> -> vector<1x10240xi32>
      %shift_right_arithmetic3A = arith.constant 31 : i32
      %shift_right_arithmetic3A_86 = vector.broadcast %shift_right_arithmetic3A : i32 to vector<1x10240xi32>
      %shift_right_arithmetic3A_87 = arith.shrsi %bitcast_convert_type3A, %shift_right_arithmetic3A_86 : vector<1x10240xi32>
      %and3A = arith.constant 2147483647 : i32
      %and3A_88 = vector.broadcast %and3A : i32 to vector<1x10240xi32>
      %and3A_89 = arith.andi %shift_right_arithmetic3A_87, %and3A_88 : vector<1x10240xi32>
      %xor3A = arith.xori %bitcast_convert_type3A, %and3A_89 : vector<1x10240xi32>
      %jit3A_90 = arith.constant -2147483648 : i32
      %broadcast_in_dim3A_91 = vector.shape_cast %xor3A : vector<1x10240xi32> to vector<1x10240xi32>
      %broadcast_in_dim3A_92 = vector.broadcast %broadcast_in_dim3A_91 : vector<1x10240xi32> to vector<64x10240xi32>
      %broadcast_in_dim3A_93 = vector.broadcast %jit3A_90 : i32 to vector<64x10240xi32>
      %select_n3A_94 = arith.select %eq3A_71, %broadcast_in_dim3A_92, %broadcast_in_dim3A_93 : vector<64x10240xi1>, vector<64x10240xi32>
      %broadcast_in_dim3A_95 = arith.constant 0 : i32
      %broadcast_in_dim3A_96 = vector.broadcast %broadcast_in_dim3A_95 : i32 to vector<64x1xi32>
      %ge3A = vector.broadcast %broadcast_in_dim3A_96 : vector<64x1xi32> to vector<64x10240xi32>
      %ge3A_97 = arith.cmpi sge, %select_n3A_94, %ge3A : vector<64x10240xi32>
      %jit3A_98 = arith.constant 1.000000e+00 : f32
      %jit3A_99 = arith.constant 0.000000e+00 : f32
      %broadcast_in_dim3A_100 = vector.broadcast %jit3A_98 : f32 to vector<64x10240xf32>
      %broadcast_in_dim3A_101 = vector.broadcast %jit3A_99 : f32 to vector<64x10240xf32>
      %select_n3A_102 = arith.select %ge3A_97, %broadcast_in_dim3A_100, %broadcast_in_dim3A_101 : vector<64x10240xi1>, vector<64x10240xf32>
      %reduce_sum3A_103 = arith.constant dense<0.000000e+00> : vector<64xf32>
      %reduce_sum3A_104 = vector.multi_reduction <add>, %select_n3A_102, %reduce_sum3A_103 [1] : vector<64x10240xf32> to vector<64xf32>
      %broadcast_in_dim3A_105 = vector.shape_cast %reduce_sum3A_104 : vector<64xf32> to vector<64x1xf32>
      %ge3A_106 = arith.cmpf oge, %broadcast_in_dim3A_105, %floor3A : vector<64x1xf32>
      %broadcast_in_dim3A_107 = arith.constant -2147483648 : i32
      %broadcast_in_dim3A_108 = vector.broadcast %broadcast_in_dim3A_107 : i32 to vector<64x1xi32>
      %select_n3A_109 = arith.select %ge3A_106, %broadcast_in_dim3A_96, %broadcast_in_dim3A_108 : vector<64x1xi1>, vector<64x1xi32>
      %scan3A = arith.constant 0 : i32
      %scan3A_110 = arith.constant 31 : i32
      %scan3A_111 = arith.addi %scan3A, %scan3A_110 : i32
      %scan3A_112 = arith.constant 1 : i32
      %scan3A_113 = scf.for %scan3A_212 = %scan3A to %scan3A_111 step %scan3A_112 iter_args(%scan3A_213 = %select_n3A_109) -> (vector<64x1xi32>)  : i32 {
        %sub3A_214 = arith.constant 30 : i32
        %sub3A_215 = arith.subi %sub3A_214, %scan3A_212 : i32
        %shift_left3A = arith.constant 1 : i32
        %shift_left3A_216 = arith.shli %shift_left3A, %sub3A_215 : i32
        %add3A_217 = vector.broadcast %shift_left3A_216 : i32 to vector<64x1xi32>
        %add3A_218 = arith.addi %scan3A_213, %add3A_217 : vector<64x1xi32>
        %ge3A_219 = vector.broadcast %add3A_218 : vector<64x1xi32> to vector<64x10240xi32>
        %ge3A_220 = arith.cmpi sge, %select_n3A_94, %ge3A_219 : vector<64x10240xi32>
        %jit3A_221 = arith.constant 1.000000e+00 : f32
        %jit3A_222 = arith.constant 0.000000e+00 : f32
        %broadcast_in_dim3A_223 = vector.broadcast %jit3A_221 : f32 to vector<64x10240xf32>
        %broadcast_in_dim3A_224 = vector.broadcast %jit3A_222 : f32 to vector<64x10240xf32>
        %select_n3A_225 = arith.select %ge3A_220, %broadcast_in_dim3A_223, %broadcast_in_dim3A_224 : vector<64x10240xi1>, vector<64x10240xf32>
        %reduce_sum3A_226 = arith.constant dense<0.000000e+00> : vector<64xf32>
        %reduce_sum3A_227 = vector.multi_reduction <add>, %select_n3A_225, %reduce_sum3A_226 [1] : vector<64x10240xf32> to vector<64xf32>
        %broadcast_in_dim3A_228 = vector.shape_cast %reduce_sum3A_227 : vector<64xf32> to vector<64x1xf32>
        %ge3A_229 = arith.cmpf oge, %broadcast_in_dim3A_228, %floor3A : vector<64x1xf32>
        %select_n3A_230 = arith.select %ge3A_229, %add3A_218, %scan3A_213 : vector<64x1xi1>, vector<64x1xi32>
        scf.yield %select_n3A_230 : vector<64x1xi32>
      }
      %scan3A_114 = arith.constant 31 : i32
      %gt3A = vector.broadcast %scan3A_113 : vector<64x1xi32> to vector<64x10240xi32>
      %gt3A_115 = arith.cmpi sgt, %select_n3A_94, %gt3A : vector<64x10240xi32>
      %eq3A_116 = vector.broadcast %scan3A_113 : vector<64x1xi32> to vector<64x10240xi32>
      %eq3A_117 = arith.cmpi eq, %select_n3A_94, %eq3A_116 : vector<64x10240xi32>
      %and3A_118 = arith.andi %eq3A_117, %eq3A_71 : vector<64x10240xi1>
      %jit3A_119 = arith.constant 1.000000e+00 : f32
      %jit3A_120 = arith.constant 0.000000e+00 : f32
      %broadcast_in_dim3A_121 = vector.broadcast %jit3A_119 : f32 to vector<64x10240xf32>
      %broadcast_in_dim3A_122 = vector.broadcast %jit3A_120 : f32 to vector<64x10240xf32>
      %select_n3A_123 = arith.select %gt3A_115, %broadcast_in_dim3A_121, %broadcast_in_dim3A_122 : vector<64x10240xi1>, vector<64x10240xf32>
      %reduce_sum3A_124 = arith.constant dense<0.000000e+00> : vector<64xf32>
      %reduce_sum3A_125 = vector.multi_reduction <add>, %select_n3A_123, %reduce_sum3A_124 [1] : vector<64x10240xf32> to vector<64xf32>
      %broadcast_in_dim3A_126 = vector.shape_cast %reduce_sum3A_125 : vector<64xf32> to vector<64x1xf32>
      %jit3A_127 = arith.constant 1.000000e+00 : f32
      %jit3A_128 = arith.constant 0.000000e+00 : f32
      %broadcast_in_dim3A_129 = vector.broadcast %jit3A_127 : f32 to vector<64x10240xf32>
      %broadcast_in_dim3A_130 = vector.broadcast %jit3A_128 : f32 to vector<64x10240xf32>
      %select_n3A_131 = arith.select %and3A_118, %broadcast_in_dim3A_129, %broadcast_in_dim3A_130 : vector<64x10240xi1>, vector<64x10240xf32>
      %reduce_sum3A_132 = arith.constant dense<0.000000e+00> : vector<64xf32>
      %reduce_sum3A_133 = vector.multi_reduction <add>, %select_n3A_131, %reduce_sum3A_132 [1] : vector<64x10240xf32> to vector<64xf32>
      %broadcast_in_dim3A_134 = vector.shape_cast %reduce_sum3A_133 : vector<64xf32> to vector<64x1xf32>
      %sub3A = arith.subf %floor3A, %broadcast_in_dim3A_126 : vector<64x1xf32>
      %iota3A_135 = tpu.iota {dimensions = array<i32: 0>} : vector<64x64xi32>
      %iota3A_136 = tpu.iota {dimensions = array<i32: 1>} : vector<64x64xi32>
      %lt3A = arith.cmpi slt, %iota3A_136, %iota3A_135 : vector<64x64xi32>
      %jit3A_137 = arith.constant 1.000000e+00 : f32
      %jit3A_138 = arith.constant 0.000000e+00 : f32
      %broadcast_in_dim3A_139 = vector.broadcast %jit3A_137 : f32 to vector<64x64xf32>
      %broadcast_in_dim3A_140 = vector.broadcast %jit3A_138 : f32 to vector<64x64xf32>
      %select_n3A_141 = arith.select %lt3A, %broadcast_in_dim3A_139, %broadcast_in_dim3A_140 : vector<64x64xi1>, vector<64x64xf32>
      %dot_general3A_142 = arith.constant dense<0.000000e+00> : vector<64x1xf32>
      %dot_general3A_143 = tpu.matmul %select_n3A_141, %broadcast_in_dim3A_134, %dot_general3A_142 {dimension_numbers = #tpu.dot_dimension_numbers<[1], [0], [0], [1], [0, 0, 1, 1], [], []>, transpose_lhs_hint = false} : vector<64x64xf32>, vector<64x1xf32>, vector<64x1xf32> -> vector<64x1xf32>
      %add3A_144 = arith.addf %dot_general3A_143, %sub3A : vector<64x1xf32>
      %jit3A_145 = arith.constant 1.000000e+00 : f32
      %jit3A_146 = arith.constant 0.000000e+00 : f32
      %broadcast_in_dim3A_147 = vector.broadcast %jit3A_145 : f32 to vector<64x10240xf32>
      %broadcast_in_dim3A_148 = vector.broadcast %jit3A_146 : f32 to vector<64x10240xf32>
      %select_n3A_149 = arith.select %and3A_118, %broadcast_in_dim3A_147, %broadcast_in_dim3A_148 : vector<64x10240xi1>, vector<64x10240xf32>
      %reduce_sum3A_150 = arith.constant dense<0.000000e+00> : vector<10240xf32>
      %reduce_sum3A_151 = vector.multi_reduction <add>, %select_n3A_149, %reduce_sum3A_150 [0] : vector<64x10240xf32> to vector<10240xf32>
      %broadcast_in_dim3A_152 = vector.shape_cast %reduce_sum3A_151 : vector<10240xf32> to vector<1x10240xf32>
      %reshape3A_153 = vector.shape_cast %broadcast_in_dim3A_152 : vector<1x10240xf32> to vector<80x128xf32>
      %iota3A_154 = tpu.iota {dimensions = array<i32: 0>} : vector<128x128xi32>
      %iota3A_155 = tpu.iota {dimensions = array<i32: 1>} : vector<128x128xi32>
      %le3A = arith.cmpi sle, %iota3A_154, %iota3A_155 : vector<128x128xi32>
      %jit3A_156 = arith.constant 1.000000e+00 : f32
      %jit3A_157 = arith.constant 0.000000e+00 : f32
      %broadcast_in_dim3A_158 = vector.broadcast %jit3A_156 : f32 to vector<128x128xf32>
      %broadcast_in_dim3A_159 = vector.broadcast %jit3A_157 : f32 to vector<128x128xf32>
      %select_n3A_160 = arith.select %le3A, %broadcast_in_dim3A_158, %broadcast_in_dim3A_159 : vector<128x128xi1>, vector<128x128xf32>
      %dot_general3A_161 = arith.constant dense<0.000000e+00> : vector<80x128xf32>
      %dot_general3A_162 = tpu.matmul %reshape3A_153, %select_n3A_160, %dot_general3A_161 {dimension_numbers = #tpu.dot_dimension_numbers<[1], [0], [0], [1], [0, 0, 1, 1], [], []>, transpose_lhs_hint = false} : vector<80x128xf32>, vector<128x128xf32>, vector<80x128xf32> -> vector<80x128xf32>
      %reduce_sum3A_163 = arith.constant dense<0.000000e+00> : vector<80xf32>
      %reduce_sum3A_164 = vector.multi_reduction <add>, %reshape3A_153, %reduce_sum3A_163 [1] : vector<80x128xf32> to vector<80xf32>
      %broadcast_in_dim3A_165 = vector.shape_cast %reduce_sum3A_164 : vector<80xf32> to vector<80x1xf32>
      %iota3A_166 = tpu.iota {dimensions = array<i32: 0>} : vector<80x80xi32>
      %iota3A_167 = tpu.iota {dimensions = array<i32: 1>} : vector<80x80xi32>
      %lt3A_168 = arith.cmpi slt, %iota3A_167, %iota3A_166 : vector<80x80xi32>
      %jit3A_169 = arith.constant 1.000000e+00 : f32
      %jit3A_170 = arith.constant 0.000000e+00 : f32
      %broadcast_in_dim3A_171 = vector.broadcast %jit3A_169 : f32 to vector<80x80xf32>
      %broadcast_in_dim3A_172 = vector.broadcast %jit3A_170 : f32 to vector<80x80xf32>
      %select_n3A_173 = arith.select %lt3A_168, %broadcast_in_dim3A_171, %broadcast_in_dim3A_172 : vector<80x80xi1>, vector<80x80xf32>
      %dot_general3A_174 = arith.constant dense<0.000000e+00> : vector<80x1xf32>
      %dot_general3A_175 = tpu.matmul %select_n3A_173, %broadcast_in_dim3A_165, %dot_general3A_174 {dimension_numbers = #tpu.dot_dimension_numbers<[1], [0], [0], [1], [0, 0, 1, 1], [], []>, transpose_lhs_hint = false} : vector<80x80xf32>, vector<80x1xf32>, vector<80x1xf32> -> vector<80x1xf32>
      %add3A_176 = vector.broadcast %dot_general3A_175 : vector<80x1xf32> to vector<80x128xf32>
      %add3A_177 = arith.addf %dot_general3A_162, %add3A_176 : vector<80x128xf32>
      %sub3A_178 = arith.subf %add3A_177, %reshape3A_153 : vector<80x128xf32>
      %reshape3A_179 = vector.shape_cast %sub3A_178 : vector<80x128xf32> to vector<1x10240xf32>
      %lt3A_180 = vector.broadcast %reshape3A_179 : vector<1x10240xf32> to vector<64x10240xf32>
      %lt3A_181 = vector.broadcast %add3A_144 : vector<64x1xf32> to vector<64x10240xf32>
      %lt3A_182 = arith.cmpf olt, %lt3A_180, %lt3A_181 : vector<64x10240xf32>
      %and3A_183 = arith.andi %and3A_118, %lt3A_182 : vector<64x10240xi1>
      %or3A = arith.ori %gt3A_115, %and3A_183 : vector<64x10240xi1>
      %jit3A_184 = arith.constant 1.000000e+00 : f32
      %jit3A_185 = arith.constant 0.000000e+00 : f32
      %broadcast_in_dim3A_186 = vector.broadcast %jit3A_184 : f32 to vector<64x10240xf32>
      %broadcast_in_dim3A_187 = vector.broadcast %jit3A_185 : f32 to vector<64x10240xf32>
      %select_n3A_188 = arith.select %or3A, %broadcast_in_dim3A_186, %broadcast_in_dim3A_187 : vector<64x10240xi1>, vector<64x10240xf32>
      %reduce_sum3A_189 = arith.constant dense<0.000000e+00> : vector<10240xf32>
      %reduce_sum3A_190 = vector.multi_reduction <add>, %select_n3A_188, %reduce_sum3A_189 [0] : vector<64x10240xf32> to vector<10240xf32>
      %broadcast_in_dim3A_191 = vector.shape_cast %reduce_sum3A_190 : vector<10240xf32> to vector<1x10240xf32>
      %tanh3A = math.tanh %reshape3A_63 : vector<1x10240xf32>
      %mul3A_192 = arith.mulf %tanh3A, %broadcast_in_dim3A_191 : vector<1x10240xf32>
      %reshape3A_193 = vector.shape_cast %mul3A_192 : vector<1x10240xf32> to vector<80x128xf32>
      %swap3A_194 = arith.constant 0 : index
      %swap3A_195 = arith.constant 0 : index
      %swap3A_196 = vector.load %arg12[%swap3A_194, %swap3A_195] : memref<80x128xf32, #tpu.memory_space<vmem>>, vector<80x128xf32>
      tpu.vector_store %arg12[%swap3A_194, %swap3A_195], %reshape3A_193 {strides = array<i32>} : memref<80x128xf32, #tpu.memory_space<vmem>>, vector<80x128xf32>,
      %broadcast_in_dim3A_197 = vector.shape_cast %floor3A : vector<64x1xf32> to vector<64x1xf32>
      %broadcast_in_dim3A_198 = vector.broadcast %broadcast_in_dim3A_197 : vector<64x1xf32> to vector<64x128xf32>
      %swap3A_199 = arith.constant 0 : index
      %swap3A_200 = arith.constant 0 : index
      %swap3A_201 = vector.load %arg13[%swap3A_199, %swap3A_200] : memref<64x128xf32, #tpu.memory_space<vmem>>, vector<64x128xf32>
      tpu.vector_store %arg13[%swap3A_199, %swap3A_200], %broadcast_in_dim3A_198 {strides = array<i32>} : memref<64x128xf32, #tpu.memory_space<vmem>>, vector<64x128xf32>,
      %broadcast_in_dim3A_202 = arith.constant 0.000000e+00 : f32
      %broadcast_in_dim3A_203 = vector.broadcast %broadcast_in_dim3A_202 : f32 to vector<64x512xf32>
      %swap3A_204 = arith.constant 0 : index
      %swap3A_205 = arith.constant 0 : index
      %swap3A_206 = vector.load %arg14[%swap3A_204, %swap3A_205] : memref<64x512xf32, #tpu.memory_space<vmem>>, vector<64x512xf32>
      tpu.vector_store %arg14[%swap3A_204, %swap3A_205], %broadcast_in_dim3A_203 {strides = array<i32>} : memref<64x512xf32, #tpu.memory_space<vmem>>, vector<64x512xf32>,
      %broadcast_in_dim3A_207 = arith.constant 0.000000e+00 : f32
      %broadcast_in_dim3A_208 = vector.broadcast %broadcast_in_dim3A_207 : f32 to vector<8x512xf32>
      %swap3A_209 = arith.constant 0 : index
      %swap3A_210 = arith.constant 0 : index
      %swap3A_211 = vector.load %arg15[%swap3A_209, %swap3A_210] : memref<8x512xf32, #tpu.memory_space<vmem>>, vector<8x512xf32>
      tpu.vector_store %arg15[%swap3A_209, %swap3A_210], %broadcast_in_dim3A_208 {strides = array<i32>} : memref<8x512xf32, #tpu.memory_space<vmem>>, vector<8x512xf32>,
    } else {
    }
    %get3A = arith.constant 0 : index
    %get3A_2 = arith.constant 0 : index
    %get3A_3 = vector.load %arg1[%get3A, %get3A_2] : memref<1024x512xf32, #tpu.memory_space<vmem>>, vector<1024x512xf32>
    %mul3A = arith.constant 8 : i32
    %mul3A_4 = arith.muli %arg0, %mul3A : i32
    %get3A_5 = arith.index_cast %mul3A_4 : i32 to index
    %get3A_6 = arith.constant 0 : index
    %get3A_7 = vector.load %arg12[%get3A_5, %get3A_6] : memref<80x128xf32, #tpu.memory_space<vmem>>, vector<8x128xf32>
    %reshape3A = vector.shape_cast %get3A_7 : vector<8x128xf32> to vector<1x1024xf32>
    %transpose3A = tpu.transpose %reshape3A, [1, 0] : vector<1x1024xf32> -> vector<1024x1xf32>
    %mul3A_8 = arith.constant 8 : i32
    %mul3A_9 = arith.muli %arg0, %mul3A_8 : i32
    %get3A_10 = arith.index_cast %mul3A_9 : i32 to index
    %get3A_11 = arith.constant 0 : index
    %get3A_12 = vector.load %arg5[%get3A_10, %get3A_11] : memref<80x128xi32, #tpu.memory_space<vmem>>, vector<8x128xi32>
    %reshape3A_13 = vector.shape_cast %get3A_12 : vector<8x128xi32> to vector<1x1024xi32>
    %iota3A = tpu.iota {dimensions = array<i32: 0>} : vector<64x1xi32>
    %eq3A_14 = vector.broadcast %reshape3A_13 : vector<1x1024xi32> to vector<64x1024xi32>
    %eq3A_15 = vector.broadcast %iota3A : vector<64x1xi32> to vector<64x1024xi32>
    %eq3A_16 = arith.cmpi eq, %eq3A_14, %eq3A_15 : vector<64x1024xi32>
    %jit3A = arith.constant 1.000000e+00 : f32
    %jit3A_17 = arith.constant 0.000000e+00 : f32
    %broadcast_in_dim3A = vector.broadcast %jit3A : f32 to vector<64x1024xf32>
    %broadcast_in_dim3A_18 = vector.broadcast %jit3A_17 : f32 to vector<64x1024xf32>
    %select_n3A = arith.select %eq3A_16, %broadcast_in_dim3A, %broadcast_in_dim3A_18 : vector<64x1024xi1>, vector<64x1024xf32>
    %mul3A_19 = vector.broadcast %transpose3A : vector<1024x1xf32> to vector<1024x512xf32>
    %mul3A_20 = arith.mulf %get3A_3, %mul3A_19 : vector<1024x512xf32>
    %get3A_21 = arith.constant 0 : index
    %get3A_22 = arith.constant 0 : index
    %get3A_23 = vector.load %arg14[%get3A_21, %get3A_22] : memref<64x512xf32, #tpu.memory_space<vmem>>, vector<64x512xf32>
    %dot_general3A = arith.constant dense<0.000000e+00> : vector<64x512xf32>
    %dot_general3A_24 = tpu.matmul %select_n3A, %mul3A_20, %dot_general3A {dimension_numbers = #tpu.dot_dimension_numbers<[1], [0], [0], [1], [0, 0, 1, 1], [], []>, transpose_lhs_hint = false} : vector<64x1024xf32>, vector<1024x512xf32>, vector<64x512xf32> -> vector<64x512xf32>
    %add3A = arith.addf %get3A_23, %dot_general3A_24 : vector<64x512xf32>
    %swap3A = arith.constant 0 : index
    %swap3A_25 = arith.constant 0 : index
    %swap3A_26 = vector.load %arg14[%swap3A, %swap3A_25] : memref<64x512xf32, #tpu.memory_space<vmem>>, vector<64x512xf32>
    tpu.vector_store %arg14[%swap3A, %swap3A_25], %add3A {strides = array<i32>} : memref<64x512xf32, #tpu.memory_space<vmem>>, vector<64x512xf32>,
    %get3A_27 = arith.constant 0 : index
    %get3A_28 = arith.constant 0 : index
    %get3A_29 = vector.load %arg15[%get3A_27, %get3A_28] : memref<8x512xf32, #tpu.memory_space<vmem>>, vector<1x512xf32>
    %mul3A_30 = arith.mulf %mul3A_20, %mul3A_20 : vector<1024x512xf32>
    %reduce_sum3A = arith.constant dense<0.000000e+00> : vector<512xf32>
    %reduce_sum3A_31 = vector.multi_reduction <add>, %mul3A_30, %reduce_sum3A [0] : vector<1024x512xf32> to vector<512xf32>
    %broadcast_in_dim3A_32 = vector.shape_cast %reduce_sum3A_31 : vector<512xf32> to vector<1x512xf32>
    %add3A_33 = arith.addf %get3A_29, %broadcast_in_dim3A_32 : vector<1x512xf32>
    %swap3A_34 = arith.constant 0 : index
    %swap3A_35 = arith.constant 0 : index
    %swap3A_36 = vector.load %arg15[%swap3A_34, %swap3A_35] : memref<8x512xf32, #tpu.memory_space<vmem>>, vector<1x512xf32>
    tpu.vector_store %arg15[%swap3A_34, %swap3A_35], %add3A_33 {strides = array<i32>} : memref<8x512xf32, #tpu.memory_space<vmem>>, vector<1x512xf32>,
    %eq3A_37 = arith.constant 9 : i32
    %eq3A_38 = arith.cmpi eq, %arg0, %eq3A_37 : i32
    %convert_element_type3A_39 = arith.extui %eq3A_38 : i1 to i32
    %cond3A_40 = arith.constant 0 : i32
    %cond3A_41 = arith.cmpi ne, %convert_element_type3A_39, %cond3A_40 : i32
    scf.if %cond3A_41 {
      %get3A_42 = arith.constant 0 : index
      %get3A_43 = arith.constant 0 : index
      %get3A_44 = vector.load %arg14[%get3A_42, %get3A_43] : memref<64x512xf32, #tpu.memory_space<vmem>>, vector<64x512xf32>
      %get3A_45 = arith.constant 0 : index
      %get3A_46 = arith.constant 0 : index
      %get3A_47 = vector.load %arg13[%get3A_45, %get3A_46] : memref<64x128xf32, #tpu.memory_space<vmem>>, vector<64x1xf32>
      %reduce_sum3A_48 = vector.shape_cast %get3A_47 : vector<64x1xf32> to vector<1x64x1xf32>
      %reduce_sum3A_49 = arith.constant dense<0.000000e+00> : vector<1xf32>
      %reduce_sum3A_50 = vector.multi_reduction <add>, %reduce_sum3A_48, %reduce_sum3A_49 [1, 2] : vector<1x64x1xf32> to vector<1xf32>
      %reduce_sum3A_51 = vector.shape_cast %reduce_sum3A_50 : vector<1xf32> to vector<1x1x1xf32>
      %reduce_sum3A_52 = vector.extract %reduce_sum3A_51[0, 0, 0] : f32 from vector<1x1x1xf32>
      %reduce_sum3A_53 = arith.constant dense<0.000000e+00> : vector<512xf32>
      %reduce_sum3A_54 = vector.multi_reduction <add>, %get3A_44, %reduce_sum3A_53 [0] : vector<64x512xf32> to vector<512xf32>
      %broadcast_in_dim3A_55 = vector.shape_cast %reduce_sum3A_54 : vector<512xf32> to vector<1x512xf32>
      %div3A = vector.broadcast %reduce_sum3A_52 : f32 to vector<1x512xf32>
      %div3A_56 = arith.divf %broadcast_in_dim3A_55, %div3A : vector<1x512xf32>
      %get3A_57 = arith.constant 0 : index
      %get3A_58 = arith.constant 0 : index
      %get3A_59 = vector.load %arg15[%get3A_57, %get3A_58] : memref<8x512xf32, #tpu.memory_space<vmem>>, vector<1x512xf32>
      %div3A_60 = vector.broadcast %reduce_sum3A_52 : f32 to vector<1x512xf32>
      %div3A_61 = arith.divf %get3A_59, %div3A_60 : vector<1x512xf32>
      %mul3A_62 = arith.mulf %div3A_56, %div3A_56 : vector<1x512xf32>
      %sub3A = arith.subf %div3A_61, %mul3A_62 : vector<1x512xf32>
      %get3A_63 = arith.constant 0 : index
      %get3A_64 = arith.constant 0 : index
      %get3A_65 = vector.load %arg7[%get3A_63, %get3A_64] : memref<1x512xf32, #tpu.memory_space<vmem>>, vector<1x512xf32>
      %add3A_66 = arith.constant 9.99999974E-6 : f32
      %add3A_67 = vector.broadcast %add3A_66 : f32 to vector<1x512xf32>
      %add3A_68 = arith.addf %sub3A, %add3A_67 : vector<1x512xf32>
      %rsqrt3A = math.rsqrt %add3A_68 : vector<1x512xf32>
      %mul3A_69 = arith.mulf %get3A_65, %rsqrt3A : vector<1x512xf32>
      %max3A = arith.constant 1.000000e+00 : f32
      %max3A_70 = vector.broadcast %max3A : f32 to vector<64x1xf32>
      %max3A_71 = arith.maximumf %get3A_47, %max3A_70 : vector<64x1xf32>
      %div3A_72 = vector.broadcast %max3A_71 : vector<64x1xf32> to vector<64x512xf32>
      %div3A_73 = arith.divf %get3A_44, %div3A_72 : vector<64x512xf32>
      %sub3A_74 = vector.broadcast %div3A_56 : vector<1x512xf32> to vector<64x512xf32>
      %sub3A_75 = arith.subf %div3A_73, %sub3A_74 : vector<64x512xf32>
      %mul3A_76 = vector.broadcast %mul3A_69 : vector<1x512xf32> to vector<64x512xf32>
      %mul3A_77 = arith.mulf %sub3A_75, %mul3A_76 : vector<64x512xf32>
      %get3A_78 = arith.constant 0 : index
      %get3A_79 = arith.constant 0 : index
      %get3A_80 = vector.load %arg8[%get3A_78, %get3A_79] : memref<1x512xf32, #tpu.memory_space<vmem>>, vector<1x512xf32>
      %add3A_81 = vector.broadcast %get3A_80 : vector<1x512xf32> to vector<64x512xf32>
      %add3A_82 = arith.addf %mul3A_77, %add3A_81 : vector<64x512xf32>
      %gt3A = arith.constant 0.000000e+00 : f32
      %gt3A_83 = vector.broadcast %gt3A : f32 to vector<64x1xf32>
      %gt3A_84 = arith.cmpf ogt, %get3A_47, %gt3A_83 : vector<64x1xf32>
      %jit3A_85 = arith.constant 0.000000e+00 : f32
      %broadcast_in_dim3A_86 = vector.shape_cast %gt3A_84 : vector<64x1xi1> to vector<64x1xi1>
      %broadcast_in_dim3A_87 = vector.broadcast %broadcast_in_dim3A_86 : vector<64x1xi1> to vector<64x512xi1>
      %broadcast_in_dim3A_88 = vector.broadcast %jit3A_85 : f32 to vector<64x512xf32>
      %select_n3A_89 = arith.select %broadcast_in_dim3A_87, %add3A_82, %broadcast_in_dim3A_88 : vector<64x512xi1>, vector<64x512xf32>
      %get3A_90 = arith.constant 0 : index
      %get3A_91 = arith.constant 0 : index
      %get3A_92 = vector.load %arg9[%get3A_90, %get3A_91] : memref<512x128xf32, #tpu.memory_space<vmem>>, vector<512x128xf32>
      %dot_general3A_93 = arith.constant dense<0.000000e+00> : vector<64x128xf32>
      %dot_general3A_94 = tpu.matmul %select_n3A_89, %get3A_92, %dot_general3A_93 {dimension_numbers = #tpu.dot_dimension_numbers<[1], [0], [0], [1], [0, 0, 1, 1], [], []>, transpose_lhs_hint = false} : vector<64x512xf32>, vector<512x128xf32>, vector<64x128xf32> -> vector<64x128xf32>
      %get3A_95 = arith.constant 0 : index
      %get3A_96 = arith.constant 0 : index
      %get3A_97 = vector.load %arg10[%get3A_95, %get3A_96] : memref<1x128xf32, #tpu.memory_space<vmem>>, vector<1x128xf32>
      %add3A_98 = vector.broadcast %get3A_97 : vector<1x128xf32> to vector<64x128xf32>
      %add3A_99 = arith.addf %dot_general3A_94, %add3A_98 : vector<64x128xf32>
      %iota3A_100 = tpu.iota {dimensions = array<i32: 1>} : vector<1x128xi32>
      %lt3A = arith.constant 4 : i32
      %lt3A_101 = vector.broadcast %lt3A : i32 to vector<1x128xi32>
      %lt3A_102 = arith.cmpi slt, %iota3A_100, %lt3A_101 : vector<1x128xi32>
      %jit3A_103 = arith.constant -1.000000e+30 : f32
      %broadcast_in_dim3A_104 = vector.shape_cast %lt3A_102 : vector<1x128xi1> to vector<1x128xi1>
      %broadcast_in_dim3A_105 = vector.broadcast %broadcast_in_dim3A_104 : vector<1x128xi1> to vector<64x128xi1>
      %broadcast_in_dim3A_106 = vector.broadcast %jit3A_103 : f32 to vector<64x128xf32>
      %select_n3A_107 = arith.select %broadcast_in_dim3A_105, %add3A_99, %broadcast_in_dim3A_106 : vector<64x128xi1>, vector<64x128xf32>
      %reduce_max3A = arith.constant dense<0xFF800000> : vector<64xf32>
      %reduce_max3A_108 = vector.multi_reduction <maximumf>, %select_n3A_107, %reduce_max3A [1] : vector<64x128xf32> to vector<64xf32>
      %broadcast_in_dim3A_109 = vector.shape_cast %reduce_max3A_108 : vector<64xf32> to vector<64x1xf32>
      %sub3A_110 = vector.broadcast %broadcast_in_dim3A_109 : vector<64x1xf32> to vector<64x128xf32>
      %sub3A_111 = arith.subf %select_n3A_107, %sub3A_110 : vector<64x128xf32>
      %exp3A = math.exp %sub3A_111 : vector<64x128xf32>
      %jit3A_112 = arith.constant 0.000000e+00 : f32
      %broadcast_in_dim3A_113 = vector.shape_cast %lt3A_102 : vector<1x128xi1> to vector<1x128xi1>
      %broadcast_in_dim3A_114 = vector.broadcast %broadcast_in_dim3A_113 : vector<1x128xi1> to vector<64x128xi1>
      %broadcast_in_dim3A_115 = vector.broadcast %jit3A_112 : f32 to vector<64x128xf32>
      %select_n3A_116 = arith.select %broadcast_in_dim3A_114, %exp3A, %broadcast_in_dim3A_115 : vector<64x128xi1>, vector<64x128xf32>
      %reduce_sum3A_117 = arith.constant dense<0.000000e+00> : vector<64xf32>
      %reduce_sum3A_118 = vector.multi_reduction <add>, %select_n3A_116, %reduce_sum3A_117 [1] : vector<64x128xf32> to vector<64xf32>
      %broadcast_in_dim3A_119 = vector.shape_cast %reduce_sum3A_118 : vector<64xf32> to vector<64x1xf32>
      %log3A = math.log %broadcast_in_dim3A_119 : vector<64x1xf32>
      %sub3A_120 = vector.broadcast %log3A : vector<64x1xf32> to vector<64x128xf32>
      %sub3A_121 = arith.subf %sub3A_111, %sub3A_120 : vector<64x128xf32>
      %swap3A_122 = arith.constant 0 : index
      %swap3A_123 = arith.constant 0 : index
      %swap3A_124 = vector.load %arg11[%swap3A_122, %swap3A_123] : memref<64x128xf32, #tpu.memory_space<vmem>>, vector<64x128xf32>
      tpu.vector_store %arg11[%swap3A_122, %swap3A_123], %sub3A_121 {strides = array<i32>} : memref<64x128xf32, #tpu.memory_space<vmem>>, vector<64x128xf32>,
    } else {
    }
    return
  }
  func.func @transform_0(%arg0: i32) -> (i32, i32) {
    %c0_i32 = arith.constant 0 : i32
    %c0_i32_0 = arith.constant 0 : i32
    return %arg0, %c0_i32 : i32, i32
  }
  func.func @transform_1(%arg0: i32) -> (i32, i32) {
    %c0_i32 = arith.constant 0 : i32
    %c0_i32_0 = arith.constant 0 : i32
    %c0_i32_1 = arith.constant 0 : i32
    return %c0_i32, %c0_i32_0 : i32, i32
  }
  func.func @transform_2(%arg0: i32) -> (i32, i32) {
    %c0_i32 = arith.constant 0 : i32
    %c0_i32_0 = arith.constant 0 : i32
    %c0_i32_1 = arith.constant 0 : i32
    return %c0_i32, %c0_i32_0 : i32, i32
  }
  func.func @transform_3(%arg0: i32) -> (i32, i32) {
    %c1_i32 = arith.constant 1 : i32
    %c0_i32 = arith.constant 0 : i32
    %c0_i32_0 = arith.constant 0 : i32
    return %c1_i32, %c0_i32 : i32, i32
  }
  func.func @transform_4(%arg0: i32) -> (i32, i32) {
    %c0_i32 = arith.constant 0 : i32
    %c0_i32_0 = arith.constant 0 : i32
    %c0_i32_1 = arith.constant 0 : i32
    return %c0_i32, %c0_i32_0 : i32, i32
  }
  func.func @transform_5(%arg0: i32) -> (i32, i32) {
    %c0_i32 = arith.constant 0 : i32
    %c0_i32_0 = arith.constant 0 : i32
    %c0_i32_1 = arith.constant 0 : i32
    return %c0_i32, %c0_i32_0 : i32, i32
  }
  func.func @transform_6(%arg0: i32) -> (i32, i32) {
    %c0_i32 = arith.constant 0 : i32
    %c0_i32_0 = arith.constant 0 : i32
    %c0_i32_1 = arith.constant 0 : i32
    return %c0_i32, %c0_i32_0 : i32, i32
  }
  func.func @transform_7(%arg0: i32) -> (i32, i32) {
    %c0_i32 = arith.constant 0 : i32
    %c0_i32_0 = arith.constant 0 : i32
    %c0_i32_1 = arith.constant 0 : i32
    return %c0_i32, %c0_i32_0 : i32, i32
  }
  func.func @transform_8(%arg0: i32) -> (i32, i32) {
    %c0_i32 = arith.constant 0 : i32
    %c0_i32_0 = arith.constant 0 : i32
    %c0_i32_1 = arith.constant 0 : i32
    return %c0_i32, %c0_i32_0 : i32, i32
  }
  func.func @transform_9(%arg0: i32) -> (i32, i32) {
    %c0_i32 = arith.constant 0 : i32
    %c0_i32_0 = arith.constant 0 : i32
    %c0_i32_1 = arith.constant 0 : i32
    return %c0_i32, %c0_i32_0 : i32, i32
  }
  func.func @transform_10(%arg0: i32) -> (i32, i32) {
    %c0_i32 = arith.constant 0 : i32
    %c0_i32_0 = arith.constant 0 : i32
    %c0_i32_1 = arith.constant 0 : i32
    return %c0_i32, %c0_i32_0 : i32, i32
  }
}

</mosaic_0001>

<sc_bundles>
// kernel: kernel.11.cloned.1.call-start
scs
__scs_entry_jumppad:
0x0: {  	(pc) =	sbr.rel $0x88, $3  }
0x1: {  	(tag) =	ssettag $0x0;
	lr =	simm.s32 $0x1  }
0x2: {  	[smem:$0x3F95] =	sst lr;
	_ =	strace $0xD0000000  }
0x3: {  	_ = 	snop  }
0x4: {  	_ = 	snop  }
0x5: {  	_ = 	snop  }
0x6: {  	_ = 	snop  }
0x7: {  	_ = 	snop  }
__scs_overlays_trampoline_lowered:
0x8: {  	[smem:$0x3FA4] =	sst s0  }
0x9: {  	[smem:$0x3FA5] =	sst s1  }
0xa: {  	[smem:$0x3FA6] =	sst s2  }
0xb: {  	[smem:$0x3FA7] =	sst s3  }
0xc: {  	[smem:$0x3FA8] =	sst s4  }
0xd: {  	[smem:$0x3FA9] =	sst s5  }
0xe: {  	[smem:$0x3FAA] =	sst s6  }
0xf: {  	[smem:$0x3FAB] =	sst s7  }
0x10: {  	[smem:$0x3FAC] =	sst s8  }
0x11: {  	[smem:$0x3FAD] =	sst s9;
	s0 =	simm.s32 @!p0 $0x0  }
0x12: {  	s1 =	sld [smem:$0x3F93];
	s0 =	simm.s32 @p0 $0x1  }
0x13: {  	[smem:$0x3FAE] =	sst s0;
	s0 =	simm.s32 @!p1 $0x0  }
0x14: {  	s2 =	sld [smem:$0x3F92];
	s0 =	simm.s32 @p1 $0x1  }
0x15: {  	[smem:$0x3FAF] =	sst s0;
	s0 =	simm.s32 @!p2 $0x0  }
0x16: {  	s3 =	sld [smem:$0x3FDB];
	s0 =	simm.s32 @p2 $0x1  }
0x17: {  	s4 =	simm.s32 $0x1BF5;
	[smem:$0x3FB1] =	sst s0  }
0x18: {  	s0 =	sld [smem:$0x3F94];
	_ =	swait.ge [sflag:s4], $0x0  }
0x19: {  	s7 =	sld [smem:$0x3F95]  }
0x1a: {  	s8 =	sadd.s32 $0xFFFFE003, lr  }
0x1b: {  	s9 =	sadd.s32 $0xFFFFFEF7, lr;
	s5 =	simm.s32 $0xFFFFFFFF;
	p2 =	slt.u32 s8, $0xFFFFF086  }
0x1c: {  	p1 =	slt.u32 s9, $0xF7A;
	s5 =	simm.s32 @!p2 $0x0  }
0x1d: {  	s5 =	simm.s32 @p1 $0x1;
	p0 =	seq.s32 s7, s2  }
0x1e: {  	s7 =	smul.u32 @!p0 $0xF7A, s2;
	p2 =	seq.s32 @!p0 s5, $0x0  }
0x1f: {  	s9 =	smul.u32 $0xF7A, s1;
	s8 =	simm.s32 @!p0 $0x1BF5;
	p2 =	por !p2, p0  }
0x20: {  	[sflag:s8] =	ssyncset.s32 @!p0 $0xFFFFF086;
	s6 =	sadd.s32 @!p0 s3, s7;
	s7 =	simm.s32 @!p0 $0x108  }
0x21: {  	s3 =	sadd.s32 s3, s9;
	s6 =	sadd.s32 @!p0 $0x88, s6;
	s7 =	simm.s32 @p2 $0x1082  }
0x22: {  	[simem:s7], [sflag:s8] =	dma.local @!p0 [hbm:s6], $0xF7A  }
0x23: {  	s9 =	sor.u32 $0xD0000000, s2;
	s6 =	simm.s32 $0x108;
	_ =	swait.ge @!p0 [sflag:s8], $0x0  }
0x24: {  	s3 =	sadd.s32 $0x88, s3;
	s6 =	simm.s32 @!p1 $0x1082;
	[sflag:s4] =	ssyncset.s32 $0xFFFFF086  }
0x25: {  	[simem:s6], [sflag:s4] =	dma.local [hbm:s3], $0xF7A  }
0x26: {  	[smem:$0x3F95] =	sst s1;
	(tag) =	ssettag s2;
	_ =	strace s9  }
0x27: {  	s1 =	sld [smem:$0x3FA5]  }
0x28: {  	s2 =	sld [smem:$0x3FA6]  }
0x29: {  	s4 =	sld [smem:$0x3FA8]  }
0x2a: {  	p0 =	seq.s32 s5, $0x0;
	s5 =	sld [smem:$0x3FA9]  }
0x2b: {  	s6 =	sld [smem:$0x3FAA]  }
0x2c: {  	s7 =	sld [smem:$0x3FAB]  }
0x2d: {  	s3 =	simm.s32 $0x108;
	s8 =	sld [smem:$0x3FAC]  }
0x2e: {  	s3 =	simm.s32 @!p0 $0x1082;
	s9 =	sld [smem:$0x3FAD]  }
0x2f: {  	lr =	sadd.s32 s0, s3;
	s0 =	sld [smem:$0x3FA4]  }
0x30: {  	s3 =	sld [smem:$0x3FA7]  }
0x31: {  	[smem:$0x3FB0] =	sst s10  }
0x32: {  	s10 =	sld [smem:$0x3FAE];
	_ =	sdelay $0x3  }
0x33: {  	p0 =	seq.s32 s10, $0x1;
	s10 =	sld [smem:$0x3FB0];
	_ =	sdelay $0x3  }
0x34: {  	[smem:$0x3FB0] =	sst s10  }
0x35: {  	s10 =	sld [smem:$0x3FAF];
	_ =	sdelay $0x3  }
0x36: {  	p1 =	seq.s32 s10, $0x1;
	s10 =	sld [smem:$0x3FB0];
	_ =	sdelay $0x3  }
0x37: {  	[smem:$0x3FB0] =	sst s10  }
0x38: {  	s10 =	sld [smem:$0x3FB1]  }
0x39: {  	_ = 	snop;
	(pc) =	sbr.ind lr, $3  }
0x3a: {  	_ = 	snop  }
0x3b: {  	_ = 	snop  }
0x3c: {  	p2 =	seq.s32 s10, $0x1;
	s10 =	sld [smem:$0x3FB0]  }
0x3d: {  	_ =	shalt  }
0x3e: {  	_ =	shalt  }
0x3f: {  	_ =	shalt  }
0x40: {  	_ =	shalt  }
0x41: {  	_ =	shalt  }
0x42: {  	_ =	shalt  }
0x43: {  	_ =	shalt  }
0x44: {  	_ =	shalt  }
0x45: {  	_ =	shalt  }
0x46: {  	_ =	shalt  }
0x47: {  	_ =	shalt  }
0x48: {  	_ =	shalt  }
0x49: {  	_ =	shalt  }
0x4a: {  	_ =	shalt  }
0x4b: {  	_ =	shalt  }
0x4c: {  	_ =	shalt  }
0x4d: {  	_ =	shalt  }
0x4e: {  	_ =	shalt  }
0x4f: {  	_ =	shalt  }
0x50: {  	_ =	shalt  }
0x51: {  	_ =	shalt  }
0x52: {  	_ =	shalt  }
0x53: {  	_ =	shalt  }
0x54: {  	_ =	shalt  }
0x55: {  	_ =	shalt  }
0x56: {  	_ =	shalt  }
0x57: {  	_ =	shalt  }
0x58: {  	_ =	shalt  }
0x59: {  	_ =	shalt  }
0x5a: {  	_ =	shalt  }
0x5b: {  	_ =	shalt  }
0x5c: {  	_ =	shalt  }
0x5d: {  	_ =	shalt  }
0x5e: {  	_ =	shalt  }
0x5f: {  	_ =	shalt  }
0x60: {  	_ =	shalt  }
0x61: {  	_ =	shalt  }
0x62: {  	_ =	shalt  }
0x63: {  	_ =	shalt  }
0x64: {  	_ =	shalt  }
0x65: {  	_ =	shalt  }
0x66: {  	_ =	shalt  }
0x67: {  	_ =	shalt  }
0x68: {  	_ =	shalt  }
0x69: {  	_ =	shalt  }
0x6a: {  	_ =	shalt  }
0x6b: {  	_ =	shalt  }
0x6c: {  	_ =	shalt  }
0x6d: {  	_ =	shalt  }
0x6e: {  	_ =	shalt  }
0x6f: {  	_ =	shalt  }
0x70: {  	_ =	shalt  }
0x71: {  	_ =	shalt  }
0x72: {  	_ =	shalt  }
0x73: {  	_ =	shalt  }
0x74: {  	_ =	shalt  }
0x75: {  	_ =	shalt  }
0x76: {  	_ =	shalt  }
0x77: {  	_ =	shalt  }
0x78: {  	_ =	shalt  }
0x79: {  	_ =	shalt  }
0x7a: {  	_ =	shalt  }
0x7b: {  	_ =	shalt  }
0x7c: {  	_ =	shalt  }
0x7d: {  	_ =	shalt  }
0x7e: {  	_ =	shalt  }
0x7f: {  	_ =	shalt  }
0x80: {  	_ =	shalt  }
0x81: {  	_ =	shalt  }
0x82: {  	_ =	shalt  }
0x83: {  	_ =	shalt  }
0x84: {  	_ =	shalt  }
0x85: {  	_ =	shalt  }
0x86: {  	_ =	shalt  }
0x87: {  	_ =	shalt  }
.Lfunc_end0:
.L_simem_size_0:
called_computation.1_lowered:
.L_overlay_start_0:
0x88: {  	s2 =	sld [smem:$0x3FD9]  }
0x89: {  	s3 =	sld [smem:$0x3FFE];
	_ =	sdelay $0x1  }
0x8a: {  	s1 =	srdreg.scid  }
0x8b: {  	s0 =	sand.u32 $0x1, s1  }
0x8c: {  	s16 =	sshll.u32 s0, $0xA;
	s2 =	sadd.s32 s3, s2  }
0x8d: {  	s2 =	sadd.s32 s2, s16  }
0x8e: {  	[smem:$0x3FBC] =	sst s2  }
0x8f: {  	_ = 	snop  }
0x90: {  	(tm) =	ssettm $0x1  }
0x91: {  	s17 =	sld [smem:$0x3FFB];
	_ =	sdelay $0x3  }
0x92: {  	_ =	strace s17  }
0x93: {  	s2 =	sld [smem:$0x3FFC];
	_ =	sdelay $0x3  }
0x94: {  	_ =	strace s2  }
0x95: {  	s2 =	sld [smem:$0x3FFD];
	_ =	sdelay $0x3  }
0x96: {  	_ =	strace s2  }
0x97: {  	_ =	strace $0x8FFFFFFF  }
0x98: {  	s18 =	sld [smem:$0x3FDB];
	_ =	sdelay $0x1  }
0x99: {  	s19 =	simm.s32 $_scs_section_size  }
0x9a: {  	s4 =	simm.s32 $_size__tile_overlayer_lowered;
	s5 =	simm.s32 $_tile_overlayer_lowered  }
0x9b: {  	s22 =	simm.s32 $0x1BFF;
	s21 =	sshll.u32 s5, $0x1;
	s2 =	sadd.s32 s19, s18  }
0x9c: {  	s6 =	simm.s32 $0x0;
	s20 =	sshll.u32 s4, $0x1;
	s4 =	sadd.s32 s21, s2  }
0x9d: {  	[timem:s6], [sflag:s22] =	dma.local [hbm:s4], s20  }
0x9e: {  	_ =	swait.ge [sflag:s22], s20  }
0x9f: {  	s3 =	ssub.s32 $0x0, s20;
	[sflag:s22] =	ssyncset.done $0x0  }
0xa0: {  	[sflag:s22] =	ssyncadd.s32 s3;
	_ =	sdelay $0x1  }
0xa1: {  	s23 =	simm.s32 $0x1B8B  }
0xa2: {  	_ =	swait.ge [sflag:s23], $0x1  }
0xa3: {  	[sflag:s23] =	ssyncset.done $0x0  }
0xa4: {  	s25 =	simm.s32 $0x1B8E;
	s24 =	sld [smem:$0x3FFE];
	[sflag:s23] =	ssyncadd.s32 $0xFFFFFFFF  }
0xa5: {  	s26 =	simm.s32 $execute0_lowered;
	[smem:$0x3FD2] =	sst s25  }
0xa6: {  	s4 =	sshll.u32 s26, $0x1;
	_ =	strace $0x80000049;
	[dreg:$0x1] =	wrdreg $0xFFFFFFFF  }
0xa7: {  	s28 =	simm.s32 $_size_execute0_lowered;
	s2 =	sadd.s32 s2, s4;
	[dreg:$0x0] =	wrdreg $0x0  }
0xa8: {  	s4 =	sshll.u32 s28, $0x1;
	[dreg:$0x2] =	wrdreg s2  }
0xa9: {  	[dreg:$0x3] =	wrdreg s4  }
0xaa: {  	[dreg:$0x4] =	wrdreg $0xC0  }
0xab: {  	_ =	task [dreg:s6], $0x5FFFF  }
0xac: {  	[dreg:$0x1] =	wrdreg $0xFFFFFFFF  }
0xad: {  	[dreg:$0x0] =	wrdreg $0x60  }
0xae: {  	[dreg:$0x2] =	wrdreg s24  }
0xaf: {  	[dreg:$0x3] =	wrdreg $0xA9000  }
0xb0: {  	[dreg:$0x4] =	wrdreg $0x9  }
0xb1: {  	_ =	task.clear_ibuf [dreg:s6], $0x5FFFF;
	_ =	strace $0x90000049  }
0xb2: {  	s29 =	simm.s32 $0x9;
	_ =	strace $0x8000004B  }
0xb3: {  	_ =	swait.ge [sflag:s29], $0x1  }
0xb4: {  	[sflag:s29] =	ssyncadd.s32 $0xFFFFFFFF  }
0xb5: {  	_ =	strace $0x9000004B  }
0xb6: {  	_ =	sfence  }
0xb7: {  	s30 =	sld [smem:$0x0];
	_ =	sdelay $0x2  }
0xb8: {  	s31 =	sshll.u32 s1, $0xD;
	s1 =	sshrl.u32 s1, $0x2  }
0xb9: {  	s3 =	sand.u32 $0x4000, s31;
	s1 =	sadd.s32 s1, s30  }
0xba: {  	s0 =	sor.u32 s3, s0;
	s1 =	sshll.u32 s1, $0x11  }
0xbb: {  	s0 =	sor.u32 s1, s0  }
0xbc: {  	s0 =	sadd.s32 $0x8F2B, s0  }
0xbd: {  	[sflag:s0] =	ssyncadd.remote.s32 $0x1  }
0xbe: {  	_ =	sfence.sel $0xFFFF  }
0xbf: {  	[dreg:$0x0] =	wrdreg $0xFFFFFFFF;
	(pc) =	sbr.abs _section_cstart, $3  }
0xc0: {  	[dreg:$0x1] =	wrdreg $0xFFFFFFFF  }
0xc1: {  	_ =	task.clear_ibuf [dreg:s6], $0x2FFFF;
	_ =	strace $0x9FFFFFFF  }
0xc2: {  	(tm) =	ssettm $0x7FFFFFFF  }
0xc3: {  	_ =	shalt  }
tec
execute0_lowered:
.L_overlay_start_1:
0x0: {  	(tag) =	ssettag $0x1  }
0x1: {  	s0 =	rddreg [dreg:$0x0]  }
0x2: {  	s2 =	rddreg [dreg:$0x1]  }
0x3: {  	s1 =	srdreg.scid;
	s8 =	stileid.u32;
	s3 =	simm.s32 $0x0  }
0x4: {  	s19 =	simm.s32 $0x5;
	s20 =	simm.s32 $0x2900;
	s21 =	simm.s32 $0x80  }
0x5: {  	s22 =	simm.s32 $0x4;
	s23 =	simm.s32 $0x6900;
	s24 =	simm.s32 $0x1  }
0x6: {  	s25 =	simm.s32 $0x6;
	s26 =	simm.s32 $0x3;
	s5 =	smul.u32 $0x2800, s8  }
0x7: {  	s1 =	sand.u32 $0x1, s1;
	s4 =	sshll.u32 s8, $0x1;
	s8 =	smul.u32 $0x50000, s8  }
0x8: {  	s28 =	simm.s32 $0x2;
	[smem:$0x7FF] =	sst s3;
	s6 =	smul.u32 $0x28000, s1  }
0x9: {  	s4 =	sor.u32 s1, s4;
	_ =	strace $0x8000004A;
	s1 =	ssub.s32 $0x2, s1  }
0xa: {  	s4 =	smul.u32 $0x2800, s4;
	s8 =	sshrl.u32 s8, $0x2;
	s9 =	sshrl.u32 s1, $0x1  }
0xb: {  	s7 =	sadd.s32 s5, s6;
	s5 =	sadd.s32 $0x3600, s0;
	s6 =	sadd.s32 $0x17600, s0  }
0xc: {  	s8 =	sadd.s32 s8, s2;
	s1 =	ssub.s32 s1, s9;
	s0 =	sadd.s32 s7, s0  }
0xd: {  	s31 =	sshrl.u32 s4, $0x3;
	s10 =	sadd.s32 $0x4000, s8;
	s11 =	sadd.s32 $0x8000, s8  }
0xe: {  	s12 =	sadd.s32 $0xC000, s8;
	s13 =	sadd.s32 $0x10000, s8;
	s16 =	smax.u32 s1, $0x1  }
0xf: {  	s7 =	sadd.s32 s5, s31;
	s15 =	sadd.s32 $0x3F600, s0;
	s0 =	simm.s32 $0x0  }
0x10: {  	v0 =	vimm.f32 $0.0e+00;
	s9 =	sadd.s32 $0xA000, s7;
	s14 =	sadd.s32 $0x10, s7;
	s17 =	sadd.s32 $0x4E0, s7  }
.LBB2_1:
0x11: {  	s1 =	simm.s32 $0x100  }
0x12: {  	[tilespmem:s1], [sflag:$0x5] =	stream.linear.gather [hbm4b:s9+s3], $0x2780, $0x38;
	[tilespmem:$0x1E900] =	vst v63  }
0x13: {  	_ =	swait.ge [sflag:s19], $0x2780  }
0x14: {  	[sflag:s19] =	ssyncset.done $0x0  }
0x15: {  	s18 =	simm.s32 $0x200;
	s1 =	simm.s32 $0x0;
	[sflag:s19] =	ssyncadd.s32 $0xFFFFD880  }
.LBB2_2:
0x16: {  	p0 =	sne.s32 s18, $0xFE00;
	[tilespmem:s1+$0x2970] =	vst v0  }
0x17: {  	[tilespmem:s1+$0x2900] =	vst v0  }
0x18: {  	[tilespmem:s1+$0x2910] =	vst v0  }
.Ltmp0:
0x19: {  	[tilespmem:s1+$0x2920] =	vst v0;
	(pc) =	sbr.rel @p0 .LBB2_2-.Ltmp0, $4  }
0x1a: {  	[tilespmem:s1+$0x2930] =	vst v0  }
0x1b: {  	[tilespmem:s1+$0x2940] =	vst v0  }
0x1c: {  	[tilespmem:s1+$0x2950] =	vst v0  }
0x1d: {  	[tilespmem:s1+$0x2960] =	vst v0;
	s1 =	sshra.s32 s18, $0x2;
	s18 =	sadd.s32 $0x200, s18  }
0x1e: {  	[tilespmem:s1+$0x2970] =	vst v0  }
0x1f: {  	[tilespmem:s1+$0x2900] =	vst v0  }
0x20: {  	[tilespmem:s1+$0x2910] =	vst v0  }
0x21: {  	[tilespmem:s1+$0x2920] =	vst v0  }
0x22: {  	[tilespmem:s1+$0x2930] =	vst v0  }
0x23: {  	[tilespmem:s1+$0x2940] =	vst v0  }
0x24: {  	[tilespmem:s1+$0x2950] =	vst v0  }
0x25: {  	[tilespmem:s1+$0x2960] =	vst v0  }
0x26: {  	[spmem:s8] =	stream.linear.scatter [tilespmem:s20], [sflag:$0x5], $0x4000, $0x38;
	[tilespmem:$0x1E900] =	vst v63  }
0x27: {  	_ =	swait.ge [sflag:s19], $0x4000  }
0x28: {  	[sflag:s19] =	ssyncset.done $0x0  }
0x29: {  	[sflag:s19] =	ssyncadd.s32 $0xFFFFC000  }
0x2a: {  	[spmem:s10] =	stream.linear.scatter [tilespmem:s20], [sflag:$0x5], $0x4000, $0x38;
	[tilespmem:$0x1E900] =	vst v63  }
0x2b: {  	_ =	swait.ge [sflag:s19], $0x4000  }
0x2c: {  	[sflag:s19] =	ssyncset.done $0x0  }
0x2d: {  	[sflag:s19] =	ssyncadd.s32 $0xFFFFC000  }
0x2e: {  	[spmem:s11] =	stream.linear.scatter [tilespmem:s20], [sflag:$0x5], $0x4000, $0x38;
	[tilespmem:$0x1E900] =	vst v63  }
0x2f: {  	_ =	swait.ge [sflag:s19], $0x4000  }
0x30: {  	[sflag:s19] =	ssyncset.done $0x0  }
0x31: {  	[sflag:s19] =	ssyncadd.s32 $0xFFFFC000  }
0x32: {  	[spmem:s12] =	stream.linear.scatter [tilespmem:s20], [sflag:$0x5], $0x4000, $0x38;
	[tilespmem:$0x1E900] =	vst v63  }
0x33: {  	_ =	swait.ge [sflag:s19], $0x4000  }
0x34: {  	[sflag:s19] =	ssyncset.done $0x0  }
0x35: {  	[sflag:s19] =	ssyncadd.s32 $0xFFFFC000  }
0x36: {  	[spmem:s13] =	stream.linear.scatter [tilespmem:s20], [sflag:$0x5], $0x4000, $0x38;
	[tilespmem:$0x1E900] =	vst v63  }
0x37: {  	_ =	swait.ge [sflag:s19], $0x4000  }
0x38: {  	[sflag:s19] =	ssyncset.done $0x0  }
0x39: {  	[sflag:s19] =	ssyncadd.s32 $0xFFFFC000  }
0x3a: {  	[bflag:$0x0] =	sbarrier.arrive $0xFFFF  }
0x3b: {  	[tilespmem:s3], [sflag:$0x5] =	stream.linear.gather [hbm4b:s7+s3], $0x80, $0x38;
	[tilespmem:$0x1E900] =	vst v63  }
0x3c: {  	_ =	swait.ge [sflag:s19], $0x80  }
0x3d: {  	[sflag:s19] =	ssyncset.done $0x0  }
0x3e: {  	[sflag:s19] =	ssyncadd.s32 $0xFFFFFF80  }
0x3f: {  	[tilespmem:s20], [sflag:$0x1] =	stream.indirect.gather [hbm4b:s6+s21], $0x80, s3, s21, $0xb8;
	[tilespmem:$0x1E900] =	vst v63  }
0x40: {  	_ = 	snop  }
0x41: {  	[tilespmem:s21], [sflag:$0x4] =	stream.linear.gather [hbm4b:s14+s3], $0x80, $0x38;
	[tilespmem:$0x1E900] =	vst v63  }
0x42: {  	s29 =	simm.s32 $0x100;
	_ =	swait.ge [sflag:s22], $0x80  }
0x43: {  	s18 =	sand.u32 $0x7C00, s29;
	[sflag:s22] =	ssyncset.done $0x0  }
0x44: {  	s1 =	sand.u32 $0x300, s29;
	s18 =	sadd.s32 s4, s18;
	[sflag:s22] =	ssyncadd.s32 $0xFFFFFF80  }
0x45: {  	[tilespmem:s23], [sflag:$0x2] =	stream.indirect.gather [hbm4b:s6+s21], $0x80, s21, s21, $0xb8;
	[tilespmem:$0x1E900] =	vst v63  }
0x46: {  	s1 =	sor.u32 s1, s18;
	_ =	swait.ge [sflag:s24], $0x4000  }
0x47: {  	s1 =	sshrl.u32 s1, $0x3;
	[sflag:s24] =	ssyncset.done $0x0  }
0x48: {  	s1 =	sadd.s32 s5, s1;
	[sflag:s24] =	ssyncadd.s32 $0xFFFFC000  }
0x49: {  	[tilespmem:s3], [sflag:$0x3] =	stream.linear.gather [hbm4b:s1+s3], $0x80, $0x38;
	[tilespmem:$0x1E900] =	vst v63  }
0x4a: {  	s30 =	simm.s32 $0x100  }
0x4b: {  	[spmem:s2] =	stream.indirect.scatter.add.f32 [tilespmem:s20], [sflag:$0x6], $0x80, s30, s21, $0xb8;
	[tilespmem:$0x1E900] =	vst v63  }
0x4c: {  	_ =	swait.ge [sflag:s25], $0x4000  }
0x4d: {  	[sflag:s25] =	ssyncset.done $0x0  }
0x4e: {  	[sflag:s25] =	ssyncadd.s32 $0xFFFFC000  }
0x4f: {  	s1 =	simm.s32 $0x180;
	_ =	swait.ge [sflag:s26], $0x80  }
0x50: {  	s31 =	sand.u32 $0x7C00, s1;
	[sflag:s26] =	ssyncset.done $0x0  }
0x51: {  	s29 =	sand.u32 $0x380, s1;
	s18 =	sadd.s32 s4, s31;
	[sflag:s26] =	ssyncadd.s32 $0xFFFFFF80  }
0x52: {  	[tilespmem:s20], [sflag:$0x1] =	stream.indirect.gather [hbm4b:s6+s21], $0x80, s3, s21, $0xb8;
	[tilespmem:$0x1E900] =	vst v63  }
0x53: {  	s18 =	sor.u32 s29, s18;
	_ =	swait.ge [sflag:s28], $0x4000  }
0x54: {  	s18 =	sshrl.u32 s18, $0x3;
	[sflag:s28] =	ssyncset.done $0x0  }
0x55: {  	s18 =	sadd.s32 s5, s18;
	[sflag:s28] =	ssyncadd.s32 $0xFFFFC000  }
0x56: {  	[tilespmem:s21], [sflag:$0x4] =	stream.linear.gather [hbm4b:s18+s3], $0x80, $0x38;
	[tilespmem:$0x1E900] =	vst v63  }
0x57: {  	_ = 	snop  }
0x58: {  	[spmem:s2] =	stream.indirect.scatter.add.f32 [tilespmem:s23], [sflag:$0x5], $0x80, s1, s21, $0xb8;
	[tilespmem:$0x1E900] =	vst v63  }
0x59: {  	s18 =	simm.s32 $0x280;
	_ =	swait.ge [sflag:s19], $0x4000  }
.LBB2_4:
0x5a: {  	p0 =	sne.s32 s18, $0x2680;
	[sflag:s19] =	ssyncset.done $0x0;
	s1 =	sadd.s32 $0x100, s1  }
0x5b: {  	s29 =	smov.u32 s18;
	s18 =	sadd.s32 $0x100, s18;
	[sflag:s19] =	ssyncadd.s32 $0xFFFFC000  }
0x5c: {  	_ =	swait.ge [sflag:s22], $0x80  }
0x5d: {  	s30 =	sadd.s32 $0xFFFFFF80, s29;
	[sflag:s22] =	ssyncset.done $0x0  }
0x5e: {  	s31 =	sand.u32 $0x7C00, s30;
	s30 =	sand.u32 $0x300, s30;
	[sflag:s22] =	ssyncadd.s32 $0xFFFFFF80  }
0x5f: {  	[tilespmem:s23], [sflag:$0x2] =	stream.indirect.gather [hbm4b:s6+s21], $0x80, s21, s21, $0xb8;
	[tilespmem:$0x1E900] =	vst v63  }
0x60: {  	s31 =	sadd.s32 s4, s31;
	_ =	swait.ge [sflag:s24], $0x4000  }
0x61: {  	s30 =	sor.u32 s30, s31;
	[sflag:s24] =	ssyncset.done $0x0  }
0x62: {  	s30 =	sshrl.u32 s30, $0x3;
	[sflag:s24] =	ssyncadd.s32 $0xFFFFC000  }
0x63: {  	s31 =	sadd.s32 $0xFFFFFF80, s1;
	s30 =	sadd.s32 s5, s30  }
0x64: {  	[tilespmem:s3], [sflag:$0x3] =	stream.linear.gather [hbm4b:s30+s3], $0x80, $0x38;
	[tilespmem:$0x1E900] =	vst v63  }
0x65: {  	_ = 	snop  }
0x66: {  	[spmem:s2] =	stream.indirect.scatter.add.f32 [tilespmem:s20], [sflag:$0x6], $0x80, s31, s21, $0xb8;
	[tilespmem:$0x1E900] =	vst v63  }
0x67: {  	_ =	swait.ge [sflag:s25], $0x4000  }
0x68: {  	[sflag:s25] =	ssyncset.done $0x0  }
0x69: {  	[sflag:s25] =	ssyncadd.s32 $0xFFFFC000  }
0x6a: {  	_ =	swait.ge [sflag:s26], $0x80  }
0x6b: {  	s30 =	sand.u32 $0x7C00, s29;
	[sflag:s26] =	ssyncset.done $0x0  }
0x6c: {  	s29 =	sand.u32 $0x380, s29;
	s30 =	sadd.s32 s4, s30;
	[sflag:s26] =	ssyncadd.s32 $0xFFFFFF80  }
0x6d: {  	[tilespmem:s20], [sflag:$0x1] =	stream.indirect.gather [hbm4b:s6+s21], $0x80, s3, s21, $0xb8;
	[tilespmem:$0x1E900] =	vst v63  }
0x6e: {  	s29 =	sor.u32 s29, s30;
	_ =	swait.ge [sflag:s28], $0x4000  }
0x6f: {  	s29 =	sshrl.u32 s29, $0x3;
	[sflag:s28] =	ssyncset.done $0x0  }
.Ltmp1:
0x70: {  	s29 =	sadd.s32 s5, s29;
	[sflag:s28] =	ssyncadd.s32 $0xFFFFC000;
	(pc) =	sbr.rel @p0 .LBB2_4-.Ltmp1, $4  }
0x71: {  	[tilespmem:s21], [sflag:$0x4] =	stream.linear.gather [hbm4b:s29+s3], $0x80, $0x38;
	[tilespmem:$0x1E900] =	vst v63  }
0x72: {  	_ = 	snop  }
0x73: {  	[spmem:s2] =	stream.indirect.scatter.add.f32 [tilespmem:s23], [sflag:$0x5], $0x80, s1, s21, $0xb8;
	[tilespmem:$0x1E900] =	vst v63  }
0x74: {  	_ =	swait.ge [sflag:s19], $0x4000  }
0x75: {  	[sflag:s19] =	ssyncset.done $0x0  }
0x76: {  	[sflag:s19] =	ssyncadd.s32 $0xFFFFC000  }
0x77: {  	_ =	swait.ge [sflag:s22], $0x80  }
0x78: {  	[sflag:s22] =	ssyncset.done $0x0  }
0x79: {  	[sflag:s22] =	ssyncadd.s32 $0xFFFFFF80  }
0x7a: {  	[tilespmem:s23], [sflag:$0x2] =	stream.indirect.gather [hbm4b:s6+s21], $0x80, s21, s21, $0xb8;
	[tilespmem:$0x1E900] =	vst v63  }
0x7b: {  	_ =	swait.ge [sflag:s24], $0x4000  }
0x7c: {  	[sflag:s24] =	ssyncset.done $0x0  }
0x7d: {  	[sflag:s24] =	ssyncadd.s32 $0xFFFFC000  }
0x7e: {  	[tilespmem:s3], [sflag:$0x3] =	stream.linear.gather [hbm4b:s17+s3], $0x80, $0x38;
	[tilespmem:$0x1E900] =	vst v63  }
0x7f: {  	s1 =	simm.s32 $0x2700  }
0x80: {  	[spmem:s2] =	stream.indirect.scatter.add.f32 [tilespmem:s20], [sflag:$0x6], $0x80, s1, s21, $0xb8;
	[tilespmem:$0x1E900] =	vst v63  }
0x81: {  	_ =	swait.ge [sflag:s25], $0x4000  }
0x82: {  	[sflag:s25] =	ssyncset.done $0x0  }
0x83: {  	[sflag:s25] =	ssyncadd.s32 $0xFFFFC000  }
0x84: {  	_ =	swait.ge [sflag:s26], $0x80  }
0x85: {  	[sflag:s26] =	ssyncset.done $0x0  }
0x86: {  	[sflag:s26] =	ssyncadd.s32 $0xFFFFFF80  }
0x87: {  	[tilespmem:s20], [sflag:$0x1] =	stream.indirect.gather [hbm4b:s6+s21], $0x80, s3, s21, $0xb8;
	[tilespmem:$0x1E900] =	vst v63  }
0x88: {  	_ =	swait.ge [sflag:s28], $0x4000  }
0x89: {  	[sflag:s28] =	ssyncset.done $0x0  }
0x8a: {  	s29 =	simm.s32 $0x2780;
	[sflag:s28] =	ssyncadd.s32 $0xFFFFC000  }
0x8b: {  	[spmem:s2] =	stream.indirect.scatter.add.f32 [tilespmem:s23], [sflag:$0x5], $0x80, s29, s21, $0xb8;
	[tilespmem:$0x1E900] =	vst v63  }
0x8c: {  	_ =	swait.ge [sflag:s19], $0x4000  }
0x8d: {  	[sflag:s19] =	ssyncset.done $0x0  }
0x8e: {  	[sflag:s19] =	ssyncadd.s32 $0xFFFFC000  }
0x8f: {  	_ =	swait.ge [sflag:s24], $0x4000  }
0x90: {  	[sflag:s24] =	ssyncset.done $0x0  }
0x91: {  	s30 =	simm.s32 $0x2800;
	[sflag:s24] =	ssyncadd.s32 $0xFFFFC000  }
0x92: {  	[spmem:s2] =	stream.indirect.scatter.add.f32 [tilespmem:s20], [sflag:$0x6], $0x80, s30, s21, $0xb8;
	[tilespmem:$0x1E900] =	vst v63  }
0x93: {  	s31 =	stileid.u32;
	_ =	swait.ge [sflag:s25], $0x4000  }
0x94: {  	s18 =	sshrl.u32 s8, $0x3;
	s0 =	sadd.s32 $0x1, s0;
	[sflag:s25] =	ssyncset.done $0x0  }
0x95: {  	p0 =	sne.s32 s0, s16;
	s1 =	sshll.u32 s31, $0x6;
	[sflag:s25] =	ssyncadd.s32 $0xFFFFC000  }
.Ltmp2:
0x96: {  	s1 =	sor.u32 $0x1C05, s1;
	[bflag:$0x0] =	sbarrier.arrive $0xFFFF;
	(pc) =	sbr.rel @p0 .LBB2_1-.Ltmp2, $4  }
0x97: {  	[hbm:s15], [sflag:s1] =	dma.local [spmem:s18], $0x2800  }
0x98: {  	_ =	swait.ge [sflag:s19], $0x2800  }
0x99: {  	[sflag:s19] =	ssyncset.done $0x0  }
0x9a: {  	[sflag:s19] =	ssyncadd.s32 $0xFFFFD800  }
0x9b: {  	_ =	sfence.sel $0x180000  }
0x9c: {  	[bflag:$0x0] =	sbarrier.arrive $0xFFFF  }
0x9d: {  	_ =	strace $0x9000004A  }
0x9e: {  	s0 =	stileid.u32;
	[bflag:$0x2] =	sbarrier.arrive $0xFFFF  }
0x9f: {  	p0 =	sne.s32 s0, $0x0;
	s0 =	rddreg [dreg:$0x2]  }
0xa0: {  	s0 =	sadd.s32 @!p0 $0x100000, s0  }
0xa1: {  	[sflag:s0] =	ssyncadd.tile.s32 @!p0 $0x1;
	_ =	shalt  }
.Lfunc_end2:
_tile_overlayer_lowered:
.L_overlay_start_2:
0xa2: {  	(tag) =	ssettag $0x2  }
0xa3: {  	s0 =	rddreg [dreg:$0x0];
	s2 =	stileid.u32  }
0xa4: {  	s1 =	rddreg [dreg:$0x1];
	p0 =	sne.s32 s2, $0x0  }
0xa5: {  	s3 =	rddreg [dreg:$0x2];
	[bflag:$0x3] =	sbarrier.arrive $0xFFFF;
	s2 =	simm.s32 @!p0 $0x1C05  }
0xa6: {  	[timem:s3], [sflag:s2] =	dma.local @!p0 [hbm:s0], s1  }
0xa7: {  	s0 =	simm.s32 @!p0 $0x5  }
0xa8: {  	_ =	swait.ge @!p0 [sflag:s0], s1  }
0xa9: {  	s1 =	ssub.s32 @!p0 $0x0, s1;
	[sflag:s0] =	ssyncset.done @!p0 $0x0  }
0xaa: {  	[sflag:s0] =	ssyncadd.s32 @!p0 s1  }
0xab: {  	[bflag:$0x3] =	sbarrier.arrive $0xFFFF  }
0xac: {  	_ =	shalt  }

// kernel: kernel.14.cloned.1.call-start
scs
__scs_entry_jumppad:
0x0: {  	(pc) =	sbr.rel $0x88, $3  }
0x1: {  	(tag) =	ssettag $0x0;
	lr =	simm.s32 $0x1  }
0x2: {  	[smem:$0x3F95] =	sst lr;
	_ =	strace $0xD0000000  }
0x3: {  	_ = 	snop  }
0x4: {  	_ = 	snop  }
0x5: {  	_ = 	snop  }
0x6: {  	_ = 	snop  }
0x7: {  	_ = 	snop  }
__scs_overlays_trampoline_lowered:
0x8: {  	[smem:$0x3FA4] =	sst s0  }
0x9: {  	[smem:$0x3FA5] =	sst s1  }
0xa: {  	[smem:$0x3FA6] =	sst s2  }
0xb: {  	[smem:$0x3FA7] =	sst s3  }
0xc: {  	[smem:$0x3FA8] =	sst s4  }
0xd: {  	[smem:$0x3FA9] =	sst s5  }
0xe: {  	[smem:$0x3FAA] =	sst s6  }
0xf: {  	[smem:$0x3FAB] =	sst s7  }
0x10: {  	[smem:$0x3FAC] =	sst s8  }
0x11: {  	[smem:$0x3FAD] =	sst s9;
	s0 =	simm.s32 @!p0 $0x0  }
0x12: {  	s1 =	sld [smem:$0x3F93];
	s0 =	simm.s32 @p0 $0x1  }
0x13: {  	[smem:$0x3FAE] =	sst s0;
	s0 =	simm.s32 @!p1 $0x0  }
0x14: {  	s2 =	sld [smem:$0x3F92];
	s0 =	simm.s32 @p1 $0x1  }
0x15: {  	[smem:$0x3FAF] =	sst s0;
	s0 =	simm.s32 @!p2 $0x0  }
0x16: {  	s3 =	sld [smem:$0x3FDB];
	s0 =	simm.s32 @p2 $0x1  }
0x17: {  	s4 =	simm.s32 $0x1BF5;
	[smem:$0x3FB1] =	sst s0  }
0x18: {  	s0 =	sld [smem:$0x3F94];
	_ =	swait.ge [sflag:s4], $0x0  }
0x19: {  	s7 =	sld [smem:$0x3F95]  }
0x1a: {  	s8 =	sadd.s32 $0xFFFFE003, lr  }
0x1b: {  	s9 =	sadd.s32 $0xFFFFFEF7, lr;
	s5 =	simm.s32 $0xFFFFFFFF;
	p2 =	slt.u32 s8, $0xFFFFF086  }
0x1c: {  	p1 =	slt.u32 s9, $0xF7A;
	s5 =	simm.s32 @!p2 $0x0  }
0x1d: {  	s5 =	simm.s32 @p1 $0x1;
	p0 =	seq.s32 s7, s2  }
0x1e: {  	s7 =	smul.u32 @!p0 $0xF7A, s2;
	p2 =	seq.s32 @!p0 s5, $0x0  }
0x1f: {  	s9 =	smul.u32 $0xF7A, s1;
	s8 =	simm.s32 @!p0 $0x1BF5;
	p2 =	por !p2, p0  }
0x20: {  	[sflag:s8] =	ssyncset.s32 @!p0 $0xFFFFF086;
	s6 =	sadd.s32 @!p0 s3, s7;
	s7 =	simm.s32 @!p0 $0x108  }
0x21: {  	s3 =	sadd.s32 s3, s9;
	s6 =	sadd.s32 @!p0 $0x88, s6;
	s7 =	simm.s32 @p2 $0x1082  }
0x22: {  	[simem:s7], [sflag:s8] =	dma.local @!p0 [hbm:s6], $0xF7A  }
0x23: {  	s9 =	sor.u32 $0xD0000000, s2;
	s6 =	simm.s32 $0x108;
	_ =	swait.ge @!p0 [sflag:s8], $0x0  }
0x24: {  	s3 =	sadd.s32 $0x88, s3;
	s6 =	simm.s32 @!p1 $0x1082;
	[sflag:s4] =	ssyncset.s32 $0xFFFFF086  }
0x25: {  	[simem:s6], [sflag:s4] =	dma.local [hbm:s3], $0xF7A  }
0x26: {  	[smem:$0x3F95] =	sst s1;
	(tag) =	ssettag s2;
	_ =	strace s9  }
0x27: {  	s1 =	sld [smem:$0x3FA5]  }
0x28: {  	s2 =	sld [smem:$0x3FA6]  }
0x29: {  	s4 =	sld [smem:$0x3FA8]  }
0x2a: {  	p0 =	seq.s32 s5, $0x0;
	s5 =	sld [smem:$0x3FA9]  }
0x2b: {  	s6 =	sld [smem:$0x3FAA]  }
0x2c: {  	s7 =	sld [smem:$0x3FAB]  }
0x2d: {  	s3 =	simm.s32 $0x108;
	s8 =	sld [smem:$0x3FAC]  }
0x2e: {  	s3 =	simm.s32 @!p0 $0x1082;
	s9 =	sld [smem:$0x3FAD]  }
0x2f: {  	lr =	sadd.s32 s0, s3;
	s0 =	sld [smem:$0x3FA4]  }
0x30: {  	s3 =	sld [smem:$0x3FA7]  }
0x31: {  	[smem:$0x3FB0] =	sst s10  }
0x32: {  	s10 =	sld [smem:$0x3FAE];
	_ =	sdelay $0x3  }
0x33: {  	p0 =	seq.s32 s10, $0x1;
	s10 =	sld [smem:$0x3FB0];
	_ =	sdelay $0x3  }
0x34: {  	[smem:$0x3FB0] =	sst s10  }
0x35: {  	s10 =	sld [smem:$0x3FAF];
	_ =	sdelay $0x3  }
0x36: {  	p1 =	seq.s32 s10, $0x1;
	s10 =	sld [smem:$0x3FB0];
	_ =	sdelay $0x3  }
0x37: {  	[smem:$0x3FB0] =	sst s10  }
0x38: {  	s10 =	sld [smem:$0x3FB1]  }
0x39: {  	_ = 	snop;
	(pc) =	sbr.ind lr, $3  }
0x3a: {  	_ = 	snop  }
0x3b: {  	_ = 	snop  }
0x3c: {  	p2 =	seq.s32 s10, $0x1;
	s10 =	sld [smem:$0x3FB0]  }
0x3d: {  	_ =	shalt  }
0x3e: {  	_ =	shalt  }
0x3f: {  	_ =	shalt  }
0x40: {  	_ =	shalt  }
0x41: {  	_ =	shalt  }
0x42: {  	_ =	shalt  }
0x43: {  	_ =	shalt  }
0x44: {  	_ =	shalt  }
0x45: {  	_ =	shalt  }
0x46: {  	_ =	shalt  }
0x47: {  	_ =	shalt  }
0x48: {  	_ =	shalt  }
0x49: {  	_ =	shalt  }
0x4a: {  	_ =	shalt  }
0x4b: {  	_ =	shalt  }
0x4c: {  	_ =	shalt  }
0x4d: {  	_ =	shalt  }
0x4e: {  	_ =	shalt  }
0x4f: {  	_ =	shalt  }
0x50: {  	_ =	shalt  }
0x51: {  	_ =	shalt  }
0x52: {  	_ =	shalt  }
0x53: {  	_ =	shalt  }
0x54: {  	_ =	shalt  }
0x55: {  	_ =	shalt  }
0x56: {  	_ =	shalt  }
0x57: {  	_ =	shalt  }
0x58: {  	_ =	shalt  }
0x59: {  	_ =	shalt  }
0x5a: {  	_ =	shalt  }
0x5b: {  	_ =	shalt  }
0x5c: {  	_ =	shalt  }
0x5d: {  	_ =	shalt  }
0x5e: {  	_ =	shalt  }
0x5f: {  	_ =	shalt  }
0x60: {  	_ =	shalt  }
0x61: {  	_ =	shalt  }
0x62: {  	_ =	shalt  }
0x63: {  	_ =	shalt  }
0x64: {  	_ =	shalt  }
0x65: {  	_ =	shalt  }
0x66: {  	_ =	shalt  }
0x67: {  	_ =	shalt  }
0x68: {  	_ =	shalt  }
0x69: {  	_ =	shalt  }
0x6a: {  	_ =	shalt  }
0x6b: {  	_ =	shalt  }
0x6c: {  	_ =	shalt  }
0x6d: {  	_ =	shalt  }
0x6e: {  	_ =	shalt  }
0x6f: {  	_ =	shalt  }
0x70: {  	_ =	shalt  }
0x71: {  	_ =	shalt  }
0x72: {  	_ =	shalt  }
0x73: {  	_ =	shalt  }
0x74: {  	_ =	shalt  }
0x75: {  	_ =	shalt  }
0x76: {  	_ =	shalt  }
0x77: {  	_ =	shalt  }
0x78: {  	_ =	shalt  }
0x79: {  	_ =	shalt  }
0x7a: {  	_ =	shalt  }
0x7b: {  	_ =	shalt  }
0x7c: {  	_ =	shalt  }
0x7d: {  	_ =	shalt  }
0x7e: {  	_ =	shalt  }
0x7f: {  	_ =	shalt  }
0x80: {  	_ =	shalt  }
0x81: {  	_ =	shalt  }
0x82: {  	_ =	shalt  }
0x83: {  	_ =	shalt  }
0x84: {  	_ =	shalt  }
0x85: {  	_ =	shalt  }
0x86: {  	_ =	shalt  }
0x87: {  	_ =	shalt  }
.Lfunc_end0:
.L_simem_size_0:
called_computation.2_lowered:
.L_overlay_start_0:
0x88: {  	s2 =	sld [smem:$0x3FD9]  }
0x89: {  	s3 =	sld [smem:$0x3FFE];
	_ =	sdelay $0x1  }
0x8a: {  	s1 =	srdreg.scid  }
0x8b: {  	s0 =	sand.u32 $0x1, s1  }
0x8c: {  	s16 =	sshll.u32 s0, $0xA;
	s2 =	sadd.s32 s3, s2  }
0x8d: {  	s2 =	sadd.s32 s2, s16  }
0x8e: {  	[smem:$0x3FBC] =	sst s2  }
0x8f: {  	_ = 	snop  }
0x90: {  	(tm) =	ssettm $0x1  }
0x91: {  	s17 =	sld [smem:$0x3FFB];
	_ =	sdelay $0x3  }
0x92: {  	_ =	strace s17  }
0x93: {  	s2 =	sld [smem:$0x3FFC];
	_ =	sdelay $0x3  }
0x94: {  	_ =	strace s2  }
0x95: {  	s2 =	sld [smem:$0x3FFD];
	_ =	sdelay $0x3  }
0x96: {  	_ =	strace s2  }
0x97: {  	_ =	strace $0x8FFFFFFF  }
0x98: {  	s18 =	sld [smem:$0x3FDB];
	_ =	sdelay $0x1  }
0x99: {  	s19 =	simm.s32 $_scs_section_size  }
0x9a: {  	s4 =	simm.s32 $_size__tile_overlayer_lowered;
	s5 =	simm.s32 $_tile_overlayer_lowered  }
0x9b: {  	s22 =	simm.s32 $0x1BFF;
	s21 =	sshll.u32 s5, $0x1;
	s2 =	sadd.s32 s19, s18  }
0x9c: {  	s6 =	simm.s32 $0x0;
	s20 =	sshll.u32 s4, $0x1;
	s4 =	sadd.s32 s21, s2  }
0x9d: {  	[timem:s6], [sflag:s22] =	dma.local [hbm:s4], s20  }
0x9e: {  	_ =	swait.ge [sflag:s22], s20  }
0x9f: {  	s3 =	ssub.s32 $0x0, s20;
	[sflag:s22] =	ssyncset.done $0x0  }
0xa0: {  	[sflag:s22] =	ssyncadd.s32 s3;
	_ =	sdelay $0x1  }
0xa1: {  	s23 =	simm.s32 $0x1B8B  }
0xa2: {  	_ =	swait.ge [sflag:s23], $0x1  }
0xa3: {  	[sflag:s23] =	ssyncset.done $0x0  }
0xa4: {  	s25 =	simm.s32 $0x1B8E;
	s24 =	sld [smem:$0x3FFE];
	[sflag:s23] =	ssyncadd.s32 $0xFFFFFFFF  }
0xa5: {  	s26 =	simm.s32 $execute0_lowered;
	[smem:$0x3FD2] =	sst s25  }
0xa6: {  	s4 =	sshll.u32 s26, $0x1;
	_ =	strace $0x8000004C;
	[dreg:$0x1] =	wrdreg $0xFFFFFFFF  }
0xa7: {  	s28 =	simm.s32 $_size_execute0_lowered;
	s2 =	sadd.s32 s2, s4;
	[dreg:$0x0] =	wrdreg $0x0  }
0xa8: {  	s4 =	sshll.u32 s28, $0x1;
	[dreg:$0x2] =	wrdreg s2  }
0xa9: {  	[dreg:$0x3] =	wrdreg s4  }
0xaa: {  	[dreg:$0x4] =	wrdreg $0xC0  }
0xab: {  	_ =	task [dreg:s6], $0x5FFFF  }
0xac: {  	[dreg:$0x1] =	wrdreg $0xFFFFFFFF  }
0xad: {  	[dreg:$0x0] =	wrdreg $0x60  }
0xae: {  	[dreg:$0x2] =	wrdreg s24  }
0xaf: {  	[dreg:$0x3] =	wrdreg $0x7A800  }
0xb0: {  	[dreg:$0x4] =	wrdreg $0x7D000  }
0xb1: {  	[dreg:$0x5] =	wrdreg $0x9  }
0xb2: {  	_ =	task.clear_ibuf [dreg:s6], $0x6FFFF;
	_ =	strace $0x9000004C  }
0xb3: {  	s29 =	simm.s32 $0x9;
	_ =	strace $0x8000004E  }
0xb4: {  	_ =	swait.ge [sflag:s29], $0x1  }
0xb5: {  	[sflag:s29] =	ssyncadd.s32 $0xFFFFFFFF  }
0xb6: {  	_ =	strace $0x9000004E  }
0xb7: {  	_ =	sfence  }
0xb8: {  	s30 =	sld [smem:$0x0];
	_ =	sdelay $0x2  }
0xb9: {  	s31 =	sshll.u32 s1, $0xD;
	s1 =	sshrl.u32 s1, $0x2  }
0xba: {  	s3 =	sand.u32 $0x4000, s31;
	s1 =	sadd.s32 s1, s30  }
0xbb: {  	s0 =	sor.u32 s3, s0;
	s1 =	sshll.u32 s1, $0x11  }
0xbc: {  	s0 =	sor.u32 s1, s0  }
0xbd: {  	s0 =	sadd.s32 $0x8F2B, s0  }
0xbe: {  	[sflag:s0] =	ssyncadd.remote.s32 $0x1  }
0xbf: {  	_ =	sfence.sel $0xFFFF  }
0xc0: {  	[dreg:$0x0] =	wrdreg $0xFFFFFFFF;
	(pc) =	sbr.abs _section_cstart, $3  }
0xc1: {  	[dreg:$0x1] =	wrdreg $0xFFFFFFFF  }
0xc2: {  	_ =	task.clear_ibuf [dreg:s6], $0x2FFFF;
	_ =	strace $0x9FFFFFFF  }
0xc3: {  	(tm) =	ssettm $0x7FFFFFFF  }
tec
execute0_lowered:
.L_overlay_start_1:
0x0: {  	(tag) =	ssettag $0x1  }
0x1: {  	s6 =	rddreg [dreg:$0x0]  }
0x2: {  	s1 =	srdreg.scid;
	s2 =	rddreg [dreg:$0x1]  }
0x3: {  	s0 =	stileid.u32;
	s3 =	rddreg [dreg:$0x2];
	s4 =	simm.s32 $0x0  }
0x4: {  	s13 =	simm.s32 $0x2800;
	s14 =	simm.s32 $0x5000;
	s15 =	simm.s32 $0x80  }
0x5: {  	s16 =	simm.s32 $0x1;
	s17 =	simm.s32 $0x2;
	s18 =	simm.s32 $0x0  }
0x6: {  	s5 =	sand.u32 $0x1, s1;
	s30 =	sshll.u32 s0, $0x1;
	s9 =	smul.u32 $0x280, s0  }
0x7: {  	[smem:$0x7FF] =	sst s4;
	s1 =	sor.u32 s5, s30;
	s8 =	smul.u32 $0x2800, s5  }
0x8: {  	s5 =	ssub.s32 $0x2, s5;
	s7 =	smul.u32 $0x2800, s1;
	s1 =	rddreg [dreg:$0x3]  }
0x9: {  	_ =	strace $0x8000004D;
	s10 =	sshrl.u32 s9, $0x3;
	s31 =	sshrl.u32 s5, $0x1  }
0xa: {  	s8 =	sadd.s32 s9, s8;
	s10 =	sadd.s32 s10, s6;
	s7 =	sshrl.u32 s7, $0x3  }
0xb: {  	s12 =	ssub.s32 s5, s31;
	s8 =	sshrl.u32 s8, $0x3;
	s7 =	sadd.s32 s7, s6  }
0xc: {  	s11 =	sadd.s32 s8, s6;
	s8 =	sadd.s32 s9, s2;
	s9 =	sadd.s32 s9, s3  }
0xd: {  	s5 =	sadd.s32 $0x3600, s7;
	s6 =	sadd.s32 $0xD600, s7;
	s7 =	sadd.s32 $0xB7600, s10  }
0xe: {  	v0 =	vimm.f32 $0.0e+00;
	s10 =	sadd.s32 $0xB7C00, s11;
	s11 =	smax.u32 s12, $0x1;
	s12 =	simm.s32 $0x3  }
.LBB2_1:
0xf: {  	[tilespmem:s4], [sflag:$0x3] =	stream.linear.gather [hbm4b:s5+s4], $0x2780, $0x38;
	[tilespmem:$0x7F80] =	vst v63  }
0x10: {  	_ =	swait.ge [sflag:s12], $0x2780  }
0x11: {  	[sflag:s12] =	ssyncset.done $0x0  }
0x12: {  	[sflag:s12] =	ssyncadd.s32 $0xFFFFD880  }
0x13: {  	[tilespmem:s13], [sflag:$0x3] =	stream.linear.gather [hbm4b:s6+s4], $0x2780, $0x38;
	[tilespmem:$0x7F80] =	vst v63  }
0x14: {  	_ =	swait.ge [sflag:s12], $0x2780  }
0x15: {  	[sflag:s12] =	ssyncset.done $0x0  }
0x16: {  	[sflag:s12] =	ssyncadd.s32 $0xFFFFD880  }
0x17: {  	[tilespmem:s14], [sflag:$0x3] =	stream.linear.gather [hbm4b:s7+s4], $0x280, $0x38;
	[tilespmem:$0x7F80] =	vst v63  }
0x18: {  	_ =	swait.ge [sflag:s12], $0x280  }
0x19: {  	[sflag:s12] =	ssyncset.done $0x0  }
0x1a: {  	[sflag:s12] =	ssyncadd.s32 $0xFFFFFD80  }
0x1b: {  	[spmem:s8] =	stream.linear.scatter [tilespmem:s14], [sflag:$0x3], $0x280, $0x38;
	[tilespmem:$0x7F80] =	vst v63  }
0x1c: {  	_ =	swait.ge [sflag:s12], $0x280  }
0x1d: {  	[sflag:s12] =	ssyncset.done $0x0  }
0x1e: {  	[sflag:s12] =	ssyncadd.s32 $0xFFFFFD80  }
0x1f: {  	[tilespmem:$0x5000] =	vst v0  }
0x20: {  	[tilespmem:$0x5010] =	vst v0  }
0x21: {  	[tilespmem:$0x5020] =	vst v0  }
0x22: {  	[tilespmem:$0x5030] =	vst v0  }
0x23: {  	[tilespmem:$0x5040] =	vst v0  }
0x24: {  	[tilespmem:$0x5050] =	vst v0  }
0x25: {  	[tilespmem:$0x5060] =	vst v0  }
0x26: {  	[tilespmem:$0x5070] =	vst v0  }
0x27: {  	[tilespmem:$0x5080] =	vst v0  }
0x28: {  	[tilespmem:$0x5090] =	vst v0  }
0x29: {  	[tilespmem:$0x50A0] =	vst v0  }
0x2a: {  	[tilespmem:$0x50B0] =	vst v0  }
0x2b: {  	[tilespmem:$0x50C0] =	vst v0  }
0x2c: {  	[tilespmem:$0x50D0] =	vst v0  }
0x2d: {  	[tilespmem:$0x50E0] =	vst v0  }
0x2e: {  	[tilespmem:$0x50F0] =	vst v0  }
0x2f: {  	[tilespmem:$0x5100] =	vst v0  }
0x30: {  	[tilespmem:$0x5110] =	vst v0  }
0x31: {  	[tilespmem:$0x5120] =	vst v0  }
0x32: {  	[tilespmem:$0x5130] =	vst v0  }
0x33: {  	[tilespmem:$0x5140] =	vst v0  }
0x34: {  	[tilespmem:$0x5150] =	vst v0  }
0x35: {  	[tilespmem:$0x5160] =	vst v0  }
0x36: {  	[tilespmem:$0x5170] =	vst v0  }
0x37: {  	[tilespmem:$0x5180] =	vst v0  }
0x38: {  	[tilespmem:$0x5190] =	vst v0  }
0x39: {  	[tilespmem:$0x51A0] =	vst v0  }
0x3a: {  	[tilespmem:$0x51B0] =	vst v0  }
0x3b: {  	[tilespmem:$0x51C0] =	vst v0  }
0x3c: {  	[tilespmem:$0x51D0] =	vst v0  }
0x3d: {  	[tilespmem:$0x51E0] =	vst v0  }
0x3e: {  	[tilespmem:$0x51F0] =	vst v0  }
0x3f: {  	[tilespmem:$0x5200] =	vst v0  }
0x40: {  	[tilespmem:$0x5210] =	vst v0  }
0x41: {  	[tilespmem:$0x5220] =	vst v0  }
0x42: {  	[tilespmem:$0x5230] =	vst v0  }
0x43: {  	[tilespmem:$0x5240] =	vst v0  }
0x44: {  	[tilespmem:$0x5250] =	vst v0  }
0x45: {  	[tilespmem:$0x5260] =	vst v0  }
0x46: {  	[tilespmem:$0x5270] =	vst v0  }
0x47: {  	[spmem:s9] =	stream.linear.scatter [tilespmem:s14], [sflag:$0x3], $0x280, $0x38;
	[tilespmem:$0x7F80] =	vst v63  }
0x48: {  	_ =	swait.ge [sflag:s12], $0x280  }
0x49: {  	[sflag:s12] =	ssyncset.done $0x0  }
0x4a: {  	[sflag:s12] =	ssyncadd.s32 $0xFFFFFD80  }
0x4b: {  	s19 =	simm.s32 $0x0;
	[bflag:$0x0] =	sbarrier.arrive $0xFFFF  }
.LBB2_2:
0x4c: {  	p0 =	sne.s32 s19, $0x9C00  }
.Ltmp0:
0x4d: {  	_ = 	snop;
	(pc) =	sbr.rel @p0 .LBB2_2-.Ltmp0, $4  }
0x4e: {  	_ = 	snop  }
0x4f: {  	s20 =	sshra.s32 s19, $0x2  }
0x50: {  	s19 =	sadd.s32 $0x200, s19;
	s21 =	sadd.s32 $0x5280, s20  }
0x51: {  	[tilespmem:s21], [sflag:$0x1] =	stream.indirect.gather [spmem:s2], $0x1, s20, s15, $0xb8;
	[tilespmem:$0x7F80] =	vst v63  }
0x52: {  	s19 =	simm.s32 $0x4F  }
.LBB2_4:
0x53: {  	p0 =	sne.s32 s19, $0x1  }
.Ltmp1:
0x54: {  	_ = 	snop;
	(pc) =	sbr.rel @p0 .LBB2_4-.Ltmp1, $4  }
0x55: {  	_ = 	snop  }
0x56: {  	_ =	swait.ge [sflag:s16], $0x80  }
0x57: {  	[sflag:s16] =	ssyncset.done $0x0  }
0x58: {  	s19 =	sadd.s32 $0xFFFFFFFF, s19;
	[sflag:s16] =	ssyncadd.s32 $0xFFFFFF80  }
0x59: {  	s19 =	simm.s32 $0x0  }
.LBB2_6:
0x5a: {  	p0 =	sne.s32 s19, $0x9C00  }
.Ltmp2:
0x5b: {  	_ = 	snop;
	(pc) =	sbr.rel @p0 .LBB2_6-.Ltmp2, $4  }
0x5c: {  	_ = 	snop  }
0x5d: {  	s20 =	sshra.s32 s19, $0x2  }
0x5e: {  	s19 =	sadd.s32 $0x200, s19;
	s21 =	sadd.s32 $0x5280, s20;
	s20 =	sadd.s32 $0x2800, s20  }
0x5f: {  	[spmem:s3] =	stream.indirect.scatter.add.f32 [tilespmem:s21], [sflag:$0x2], $0x1, s20, s15, $0xb8;
	[tilespmem:$0x7F80] =	vst v63  }
0x60: {  	_ =	swait.ge [sflag:s17], $0x80  }
0x61: {  	s19 =	simm.s32 $0x4E;
	[sflag:s17] =	ssyncset.done $0x0  }
.LBB2_8:
0x62: {  	p0 =	sne.s32 s19, $0x1;
	s19 =	sadd.s32 $0xFFFFFFFF, s19;
	[sflag:s17] =	ssyncadd.s32 $0xFFFFFF80  }
.Ltmp3:
0x63: {  	(pc) =	sbr.rel @p0 .LBB2_8-.Ltmp3, $3  }
0x64: {  	_ =	sdelay $0x1  }
0x65: {  	_ =	swait.ge [sflag:s17], $0x80  }
0x66: {  	[sflag:s17] =	ssyncset.done $0x0  }
0x67: {  	[sflag:s17] =	ssyncadd.s32 $0xFFFFFF80;
	s18 =	sadd.s32 $0x1, s18  }
0x68: {  	s19 =	sshll.u32 s0, $0x6;
	s20 =	sshrl.u32 s9, $0x3;
	p0 =	sne.s32 s18, s11  }
.Ltmp4:
0x69: {  	[bflag:$0x0] =	sbarrier.arrive $0xFFFF;
	s19 =	sor.u32 $0x1C03, s19;
	(pc) =	sbr.rel @p0 .LBB2_1-.Ltmp4, $4  }
0x6a: {  	[hbm:s10], [sflag:s19] =	dma.local [spmem:s20], $0x50  }
0x6b: {  	_ =	swait.ge [sflag:s12], $0x50  }
0x6c: {  	[sflag:s12] =	ssyncset.done $0x0  }
0x6d: {  	[sflag:s12] =	ssyncadd.s32 $0xFFFFFFB0  }
0x6e: {  	_ =	sfence.sel $0x180000  }
0x6f: {  	[bflag:$0x0] =	sbarrier.arrive $0xFFFF  }
0x70: {  	p0 =	sne.s32 s0, $0x0;
	_ =	strace $0x9000004D  }
0x71: {  	s0 =	sadd.s32 @!p0 $0x100000, s1;
	[bflag:$0x2] =	sbarrier.arrive $0xFFFF  }
0x72: {  	[sflag:s0] =	ssyncadd.tile.s32 @!p0 $0x1;
	_ =	shalt  }
.Lfunc_end2:
_tile_overlayer_lowered:
.L_overlay_start_2:
0x73: {  	(tag) =	ssettag $0x2  }
0x74: {  	s0 =	rddreg [dreg:$0x0];
	s2 =	stileid.u32  }
0x75: {  	s1 =	rddreg [dreg:$0x1];
	p0 =	sne.s32 s2, $0x0  }
0x76: {  	s3 =	rddreg [dreg:$0x2];
	[bflag:$0x3] =	sbarrier.arrive $0xFFFF;
	s2 =	simm.s32 @!p0 $0x1C03  }
0x77: {  	[timem:s3], [sflag:s2] =	dma.local @!p0 [hbm:s0], s1  }
0x78: {  	s0 =	simm.s32 @!p0 $0x3  }
0x79: {  	_ =	swait.ge @!p0 [sflag:s0], s1  }
0x7a: {  	s1 =	ssub.s32 @!p0 $0x0, s1;
	[sflag:s0] =	ssyncset.done @!p0 $0x0  }
0x7b: {  	[sflag:s0] =	ssyncadd.s32 @!p0 s1  }
0x7c: {  	[bflag:$0x3] =	sbarrier.arrive $0xFFFF  }
0x7d: {  	_ =	shalt  }

// kernel: kernel.8.cloned.1.call-start
scs
__scs_entry_jumppad:
0x0: {  	(pc) =	sbr.rel $0x88, $3  }
0x1: {  	(tag) =	ssettag $0x0;
	lr =	simm.s32 $0x1  }
0x2: {  	[smem:$0x3F95] =	sst lr;
	_ =	strace $0xD0000000  }
0x3: {  	_ = 	snop  }
0x4: {  	_ = 	snop  }
0x5: {  	_ = 	snop  }
0x6: {  	_ = 	snop  }
0x7: {  	_ = 	snop  }
__scs_overlays_trampoline_lowered:
0x8: {  	[smem:$0x3FA4] =	sst s0  }
0x9: {  	[smem:$0x3FA5] =	sst s1  }
0xa: {  	[smem:$0x3FA6] =	sst s2  }
0xb: {  	[smem:$0x3FA7] =	sst s3  }
0xc: {  	[smem:$0x3FA8] =	sst s4  }
0xd: {  	[smem:$0x3FA9] =	sst s5  }
0xe: {  	[smem:$0x3FAA] =	sst s6  }
0xf: {  	[smem:$0x3FAB] =	sst s7  }
0x10: {  	[smem:$0x3FAC] =	sst s8  }
0x11: {  	[smem:$0x3FAD] =	sst s9;
	s0 =	simm.s32 @!p0 $0x0  }
0x12: {  	s1 =	sld [smem:$0x3F93];
	s0 =	simm.s32 @p0 $0x1  }
0x13: {  	[smem:$0x3FAE] =	sst s0;
	s0 =	simm.s32 @!p1 $0x0  }
0x14: {  	s2 =	sld [smem:$0x3F92];
	s0 =	simm.s32 @p1 $0x1  }
0x15: {  	[smem:$0x3FAF] =	sst s0;
	s0 =	simm.s32 @!p2 $0x0  }
0x16: {  	s3 =	sld [smem:$0x3FDB];
	s0 =	simm.s32 @p2 $0x1  }
0x17: {  	s4 =	simm.s32 $0x1BF5;
	[smem:$0x3FB1] =	sst s0  }
0x18: {  	s0 =	sld [smem:$0x3F94];
	_ =	swait.ge [sflag:s4], $0x0  }
0x19: {  	s7 =	sld [smem:$0x3F95]  }
0x1a: {  	s8 =	sadd.s32 $0xFFFFE003, lr  }
0x1b: {  	s9 =	sadd.s32 $0xFFFFFEF7, lr;
	s5 =	simm.s32 $0xFFFFFFFF;
	p2 =	slt.u32 s8, $0xFFFFF086  }
0x1c: {  	p1 =	slt.u32 s9, $0xF7A;
	s5 =	simm.s32 @!p2 $0x0  }
0x1d: {  	s5 =	simm.s32 @p1 $0x1;
	p0 =	seq.s32 s7, s2  }
0x1e: {  	s7 =	smul.u32 @!p0 $0xF7A, s2;
	p2 =	seq.s32 @!p0 s5, $0x0  }
0x1f: {  	s9 =	smul.u32 $0xF7A, s1;
	s8 =	simm.s32 @!p0 $0x1BF5;
	p2 =	por !p2, p0  }
0x20: {  	[sflag:s8] =	ssyncset.s32 @!p0 $0xFFFFF086;
	s6 =	sadd.s32 @!p0 s3, s7;
	s7 =	simm.s32 @!p0 $0x108  }
0x21: {  	s3 =	sadd.s32 s3, s9;
	s6 =	sadd.s32 @!p0 $0x88, s6;
	s7 =	simm.s32 @p2 $0x1082  }
0x22: {  	[simem:s7], [sflag:s8] =	dma.local @!p0 [hbm:s6], $0xF7A  }
0x23: {  	s9 =	sor.u32 $0xD0000000, s2;
	s6 =	simm.s32 $0x108;
	_ =	swait.ge @!p0 [sflag:s8], $0x0  }
0x24: {  	s3 =	sadd.s32 $0x88, s3;
	s6 =	simm.s32 @!p1 $0x1082;
	[sflag:s4] =	ssyncset.s32 $0xFFFFF086  }
0x25: {  	[simem:s6], [sflag:s4] =	dma.local [hbm:s3], $0xF7A  }
0x26: {  	[smem:$0x3F95] =	sst s1;
	(tag) =	ssettag s2;
	_ =	strace s9  }
0x27: {  	s1 =	sld [smem:$0x3FA5]  }
0x28: {  	s2 =	sld [smem:$0x3FA6]  }
0x29: {  	s4 =	sld [smem:$0x3FA8]  }
0x2a: {  	p0 =	seq.s32 s5, $0x0;
	s5 =	sld [smem:$0x3FA9]  }
0x2b: {  	s6 =	sld [smem:$0x3FAA]  }
0x2c: {  	s7 =	sld [smem:$0x3FAB]  }
0x2d: {  	s3 =	simm.s32 $0x108;
	s8 =	sld [smem:$0x3FAC]  }
0x2e: {  	s3 =	simm.s32 @!p0 $0x1082;
	s9 =	sld [smem:$0x3FAD]  }
0x2f: {  	lr =	sadd.s32 s0, s3;
	s0 =	sld [smem:$0x3FA4]  }
0x30: {  	s3 =	sld [smem:$0x3FA7]  }
0x31: {  	[smem:$0x3FB0] =	sst s10  }
0x32: {  	s10 =	sld [smem:$0x3FAE];
	_ =	sdelay $0x3  }
0x33: {  	p0 =	seq.s32 s10, $0x1;
	s10 =	sld [smem:$0x3FB0];
	_ =	sdelay $0x3  }
0x34: {  	[smem:$0x3FB0] =	sst s10  }
0x35: {  	s10 =	sld [smem:$0x3FAF];
	_ =	sdelay $0x3  }
0x36: {  	p1 =	seq.s32 s10, $0x1;
	s10 =	sld [smem:$0x3FB0];
	_ =	sdelay $0x3  }
0x37: {  	[smem:$0x3FB0] =	sst s10  }
0x38: {  	s10 =	sld [smem:$0x3FB1]  }
0x39: {  	_ = 	snop;
	(pc) =	sbr.ind lr, $3  }
0x3a: {  	_ = 	snop  }
0x3b: {  	_ = 	snop  }
0x3c: {  	p2 =	seq.s32 s10, $0x1;
	s10 =	sld [smem:$0x3FB0]  }
0x3d: {  	_ =	shalt  }
0x3e: {  	_ =	shalt  }
0x3f: {  	_ =	shalt  }
0x40: {  	_ =	shalt  }
0x41: {  	_ =	shalt  }
0x42: {  	_ =	shalt  }
0x43: {  	_ =	shalt  }
0x44: {  	_ =	shalt  }
0x45: {  	_ =	shalt  }
0x46: {  	_ =	shalt  }
0x47: {  	_ =	shalt  }
0x48: {  	_ =	shalt  }
0x49: {  	_ =	shalt  }
0x4a: {  	_ =	shalt  }
0x4b: {  	_ =	shalt  }
0x4c: {  	_ =	shalt  }
0x4d: {  	_ =	shalt  }
0x4e: {  	_ =	shalt  }
0x4f: {  	_ =	shalt  }
0x50: {  	_ =	shalt  }
0x51: {  	_ =	shalt  }
0x52: {  	_ =	shalt  }
0x53: {  	_ =	shalt  }
0x54: {  	_ =	shalt  }
0x55: {  	_ =	shalt  }
0x56: {  	_ =	shalt  }
0x57: {  	_ =	shalt  }
0x58: {  	_ =	shalt  }
0x59: {  	_ =	shalt  }
0x5a: {  	_ =	shalt  }
0x5b: {  	_ =	shalt  }
0x5c: {  	_ =	shalt  }
0x5d: {  	_ =	shalt  }
0x5e: {  	_ =	shalt  }
0x5f: {  	_ =	shalt  }
0x60: {  	_ =	shalt  }
0x61: {  	_ =	shalt  }
0x62: {  	_ =	shalt  }
0x63: {  	_ =	shalt  }
0x64: {  	_ =	shalt  }
0x65: {  	_ =	shalt  }
0x66: {  	_ =	shalt  }
0x67: {  	_ =	shalt  }
0x68: {  	_ =	shalt  }
0x69: {  	_ =	shalt  }
0x6a: {  	_ =	shalt  }
0x6b: {  	_ =	shalt  }
0x6c: {  	_ =	shalt  }
0x6d: {  	_ =	shalt  }
0x6e: {  	_ =	shalt  }
0x6f: {  	_ =	shalt  }
0x70: {  	_ =	shalt  }
0x71: {  	_ =	shalt  }
0x72: {  	_ =	shalt  }
0x73: {  	_ =	shalt  }
0x74: {  	_ =	shalt  }
0x75: {  	_ =	shalt  }
0x76: {  	_ =	shalt  }
0x77: {  	_ =	shalt  }
0x78: {  	_ =	shalt  }
0x79: {  	_ =	shalt  }
0x7a: {  	_ =	shalt  }
0x7b: {  	_ =	shalt  }
0x7c: {  	_ =	shalt  }
0x7d: {  	_ =	shalt  }
0x7e: {  	_ =	shalt  }
0x7f: {  	_ =	shalt  }
0x80: {  	_ =	shalt  }
0x81: {  	_ =	shalt  }
0x82: {  	_ =	shalt  }
0x83: {  	_ =	shalt  }
0x84: {  	_ =	shalt  }
0x85: {  	_ =	shalt  }
0x86: {  	_ =	shalt  }
0x87: {  	_ =	shalt  }
.Lfunc_end0:
.L_simem_size_0:
called_computation_lowered:
.L_overlay_start_0:
0x88: {  	s2 =	sld [smem:$0x3FD9]  }
0x89: {  	s3 =	sld [smem:$0x3FFE];
	_ =	sdelay $0x1  }
0x8a: {  	s1 =	srdreg.scid  }
0x8b: {  	s0 =	sand.u32 $0x1, s1  }
0x8c: {  	s16 =	sshll.u32 s0, $0xA;
	s2 =	sadd.s32 s3, s2  }
0x8d: {  	s2 =	sadd.s32 s2, s16  }
0x8e: {  	[smem:$0x3FBC] =	sst s2  }
0x8f: {  	_ = 	snop  }
0x90: {  	(tm) =	ssettm $0x1  }
0x91: {  	s17 =	sld [smem:$0x3FFB];
	_ =	sdelay $0x3  }
0x92: {  	_ =	strace s17  }
0x93: {  	s2 =	sld [smem:$0x3FFC];
	_ =	sdelay $0x3  }
0x94: {  	_ =	strace s2  }
0x95: {  	s2 =	sld [smem:$0x3FFD];
	_ =	sdelay $0x3  }
0x96: {  	_ =	strace s2  }
0x97: {  	_ =	strace $0x8FFFFFFF  }
0x98: {  	s18 =	sld [smem:$0x3FDB];
	_ =	sdelay $0x1  }
0x99: {  	s19 =	simm.s32 $_scs_section_size  }
0x9a: {  	s4 =	simm.s32 $_size__tile_overlayer_lowered;
	s5 =	simm.s32 $_tile_overlayer_lowered  }
0x9b: {  	s22 =	simm.s32 $0x1BFF;
	s21 =	sshll.u32 s5, $0x1;
	s2 =	sadd.s32 s19, s18  }
0x9c: {  	s6 =	simm.s32 $0x0;
	s20 =	sshll.u32 s4, $0x1;
	s4 =	sadd.s32 s21, s2  }
0x9d: {  	[timem:s6], [sflag:s22] =	dma.local [hbm:s4], s20  }
0x9e: {  	_ =	swait.ge [sflag:s22], s20  }
0x9f: {  	s3 =	ssub.s32 $0x0, s20;
	[sflag:s22] =	ssyncset.done $0x0  }
0xa0: {  	[sflag:s22] =	ssyncadd.s32 s3;
	_ =	sdelay $0x1  }
0xa1: {  	s23 =	simm.s32 $0x1B8B  }
0xa2: {  	_ =	swait.ge [sflag:s23], $0x1  }
0xa3: {  	[sflag:s23] =	ssyncset.done $0x0  }
0xa4: {  	s25 =	simm.s32 $0x1B8E;
	s24 =	sld [smem:$0x3FFE];
	[sflag:s23] =	ssyncadd.s32 $0xFFFFFFFF  }
0xa5: {  	s26 =	simm.s32 $execute0_lowered;
	[smem:$0x3FD2] =	sst s25  }
0xa6: {  	s4 =	sshll.u32 s26, $0x1;
	_ =	strace $0x80000046;
	[dreg:$0x1] =	wrdreg $0xFFFFFFFF  }
0xa7: {  	s28 =	simm.s32 $_size_execute0_lowered;
	s2 =	sadd.s32 s2, s4;
	[dreg:$0x0] =	wrdreg $0x0  }
0xa8: {  	s4 =	sshll.u32 s28, $0x1;
	[dreg:$0x2] =	wrdreg s2  }
0xa9: {  	[dreg:$0x3] =	wrdreg s4  }
0xaa: {  	[dreg:$0x4] =	wrdreg $0xC0  }
0xab: {  	_ =	task [dreg:s6], $0x5FFFF  }
0xac: {  	[dreg:$0x1] =	wrdreg $0xFFFFFFFF  }
0xad: {  	[dreg:$0x0] =	wrdreg $0x60  }
0xae: {  	[dreg:$0x2] =	wrdreg s24  }
0xaf: {  	[dreg:$0x3] =	wrdreg $0x2B000  }
0xb0: {  	[dreg:$0x4] =	wrdreg $0x9  }
0xb1: {  	_ =	task.clear_ibuf [dreg:s6], $0x5FFFF;
	_ =	strace $0x90000046  }
0xb2: {  	s29 =	simm.s32 $0x9;
	_ =	strace $0x80000048  }
0xb3: {  	_ =	swait.ge [sflag:s29], $0x1  }
0xb4: {  	[sflag:s29] =	ssyncadd.s32 $0xFFFFFFFF  }
0xb5: {  	_ =	strace $0x90000048  }
0xb6: {  	_ =	sfence  }
0xb7: {  	s30 =	sld [smem:$0x0];
	_ =	sdelay $0x2  }
0xb8: {  	s31 =	sshll.u32 s1, $0xD;
	s1 =	sshrl.u32 s1, $0x2  }
0xb9: {  	s3 =	sand.u32 $0x4000, s31;
	s1 =	sadd.s32 s1, s30  }
0xba: {  	s0 =	sor.u32 s3, s0;
	s1 =	sshll.u32 s1, $0x11  }
0xbb: {  	s0 =	sor.u32 s1, s0  }
0xbc: {  	s0 =	sadd.s32 $0x8F2B, s0  }
0xbd: {  	[sflag:s0] =	ssyncadd.remote.s32 $0x1  }
0xbe: {  	_ =	sfence.sel $0xFFFF  }
0xbf: {  	[dreg:$0x0] =	wrdreg $0xFFFFFFFF;
	(pc) =	sbr.abs _section_cstart, $3  }
0xc0: {  	[dreg:$0x1] =	wrdreg $0xFFFFFFFF  }
0xc1: {  	_ =	task.clear_ibuf [dreg:s6], $0x2FFFF;
	_ =	strace $0x9FFFFFFF  }
0xc2: {  	(tm) =	ssettm $0x7FFFFFFF  }
0xc3: {  	_ =	shalt  }
tec
execute0_lowered:
.L_overlay_start_1:
0x0: {  	(tag) =	ssettag $0x1  }
0x1: {  	s4 =	rddreg [dreg:$0x0]  }
0x2: {  	s2 =	rddreg [dreg:$0x1]  }
0x3: {  	s0 =	rddreg [dreg:$0x2]  }
0x4: {  	s3 =	srdreg.scid;
	s1 =	stileid.u32  }
0x5: {  	s10 =	simm.s32 $0x80;
	s11 =	simm.s32 $0x2800;
	s12 =	simm.s32 $0x1  }
0x6: {  	s15 =	simm.s32 $0x0;
	s5 =	sand.u32 $0x1, s3;
	s6 =	smul.u32 $0x280, s1  }
0x7: {  	s7 =	sshll.u32 s1, $0x1;
	s3 =	simm.s32 $0x0;
	s13 =	sshll.u32 s1, $0x6  }
0x8: {  	s8 =	smul.u32 $0x2800, s5;
	s7 =	sor.u32 s5, s7;
	[smem:$0x7FF] =	sst s3  }
0x9: {  	s5 =	ssub.s32 $0x2, s5;
	s13 =	sor.u32 $0x1C02, s13;
	s7 =	smul.u32 $0x2800, s7  }
0xa: {  	_ =	strace $0x80000047;
	s9 =	sshrl.u32 s5, $0x1;
	s8 =	sadd.s32 s6, s8  }
0xb: {  	s9 =	ssub.s32 s5, s9;
	s7 =	sshrl.u32 s7, $0x3;
	s8 =	sshrl.u32 s8, $0x3  }
0xc: {  	s5 =	sadd.s32 s6, s2;
	s7 =	sadd.s32 s4, s7;
	s8 =	sadd.s32 s8, s4  }
0xd: {  	s14 =	sshrl.u32 s5, $0x3;
	s4 =	sadd.s32 $0xD600, s7;
	s6 =	sadd.s32 $0x17600, s8  }
0xe: {  	v0 =	vimm.f32 $1.000000000e+00;
	v1 =	vimm.f32 $0.0e+00;
	s7 =	smax.u32 s9, $0x1;
	s8 =	simm.s32 $0x2;
	s9 =	simm.s32 $0x2880  }
.LBB2_1:
0xf: {  	[tilespmem:s3], [sflag:$0x2] =	stream.linear.gather [hbm4b:s4+s3], $0x2780, $0x38;
	[tilespmem:$0x2D80] =	vst v63  }
0x10: {  	_ =	swait.ge [sflag:s8], $0x2780  }
0x11: {  	[sflag:s8] =	ssyncset.done $0x0  }
0x12: {  	[sflag:s8] =	ssyncadd.s32 $0xFFFFD880  }
0x13: {  	[tilespmem:$0x2800] =	vst v0  }
0x14: {  	[tilespmem:$0x2810] =	vst v0  }
0x15: {  	[tilespmem:$0x2820] =	vst v0  }
0x16: {  	[tilespmem:$0x2830] =	vst v0  }
0x17: {  	[tilespmem:$0x2840] =	vst v0  }
0x18: {  	[tilespmem:$0x2850] =	vst v0  }
0x19: {  	[tilespmem:$0x2860] =	vst v0  }
0x1a: {  	[tilespmem:$0x2870] =	vst v0  }
0x1b: {  	[tilespmem:$0x2880] =	vst v1  }
0x1c: {  	[tilespmem:$0x2890] =	vst v1  }
0x1d: {  	[tilespmem:$0x28A0] =	vst v1  }
0x1e: {  	[tilespmem:$0x28B0] =	vst v1  }
0x1f: {  	[tilespmem:$0x28C0] =	vst v1  }
0x20: {  	[tilespmem:$0x28D0] =	vst v1  }
0x21: {  	[tilespmem:$0x28E0] =	vst v1  }
0x22: {  	[tilespmem:$0x28F0] =	vst v1  }
0x23: {  	[tilespmem:$0x2900] =	vst v1  }
0x24: {  	[tilespmem:$0x2910] =	vst v1  }
0x25: {  	[tilespmem:$0x2920] =	vst v1  }
0x26: {  	[tilespmem:$0x2930] =	vst v1  }
0x27: {  	[tilespmem:$0x2940] =	vst v1  }
0x28: {  	[tilespmem:$0x2950] =	vst v1  }
0x29: {  	[tilespmem:$0x2960] =	vst v1  }
0x2a: {  	[tilespmem:$0x2970] =	vst v1  }
0x2b: {  	[tilespmem:$0x2980] =	vst v1  }
0x2c: {  	[tilespmem:$0x2990] =	vst v1  }
0x2d: {  	[tilespmem:$0x29A0] =	vst v1  }
0x2e: {  	[tilespmem:$0x29B0] =	vst v1  }
0x2f: {  	[tilespmem:$0x29C0] =	vst v1  }
0x30: {  	[tilespmem:$0x29D0] =	vst v1  }
0x31: {  	[tilespmem:$0x29E0] =	vst v1  }
0x32: {  	[tilespmem:$0x29F0] =	vst v1  }
0x33: {  	[tilespmem:$0x2A00] =	vst v1  }
0x34: {  	[tilespmem:$0x2A10] =	vst v1  }
0x35: {  	[tilespmem:$0x2A20] =	vst v1  }
0x36: {  	[tilespmem:$0x2A30] =	vst v1  }
0x37: {  	[tilespmem:$0x2A40] =	vst v1  }
0x38: {  	[tilespmem:$0x2A50] =	vst v1  }
0x39: {  	[tilespmem:$0x2A60] =	vst v1  }
0x3a: {  	[tilespmem:$0x2A70] =	vst v1  }
0x3b: {  	[tilespmem:$0x2A80] =	vst v1  }
0x3c: {  	[tilespmem:$0x2A90] =	vst v1  }
0x3d: {  	[tilespmem:$0x2AA0] =	vst v1  }
0x3e: {  	[tilespmem:$0x2AB0] =	vst v1  }
0x3f: {  	[tilespmem:$0x2AC0] =	vst v1  }
0x40: {  	[tilespmem:$0x2AD0] =	vst v1  }
0x41: {  	[tilespmem:$0x2AE0] =	vst v1  }
0x42: {  	[tilespmem:$0x2AF0] =	vst v1  }
0x43: {  	[spmem:s5] =	stream.linear.scatter [tilespmem:s9], [sflag:$0x2], $0x280, $0x38;
	[tilespmem:$0x2D80] =	vst v63  }
0x44: {  	_ =	swait.ge [sflag:s8], $0x280  }
0x45: {  	[sflag:s8] =	ssyncset.done $0x0  }
0x46: {  	[sflag:s8] =	ssyncadd.s32 $0xFFFFFD80  }
0x47: {  	s16 =	simm.s32 $0x0;
	[bflag:$0x0] =	sbarrier.arrive $0xFFFF  }
.LBB2_2:
0x48: {  	p0 =	sne.s32 s16, $0x9C00  }
.Ltmp0:
0x49: {  	_ = 	snop;
	(pc) =	sbr.rel @p0 .LBB2_2-.Ltmp0, $3  }
0x4a: {  	_ =	sdelay $0x1  }
0x4b: {  	s17 =	sshra.s32 s16, $0x2;
	s16 =	sadd.s32 $0x200, s16  }
0x4c: {  	[spmem:s2] =	stream.indirect.scatter.add.f32 [tilespmem:s11], [sflag:$0x1], $0x1, s17, s10, $0xb8;
	[tilespmem:$0x2D80] =	vst v63  }
0x4d: {  	_ =	swait.ge [sflag:s12], $0x80  }
0x4e: {  	s16 =	simm.s32 $0x4E;
	[sflag:s12] =	ssyncset.done $0x0  }
.LBB2_4:
0x4f: {  	p0 =	sne.s32 s16, $0x1;
	s16 =	sadd.s32 $0xFFFFFFFF, s16;
	[sflag:s12] =	ssyncadd.s32 $0xFFFFFF80  }
.Ltmp1:
0x50: {  	(pc) =	sbr.rel @p0 .LBB2_4-.Ltmp1, $3  }
0x51: {  	_ =	sdelay $0x1  }
0x52: {  	_ =	swait.ge [sflag:s12], $0x80  }
0x53: {  	[sflag:s12] =	ssyncset.done $0x0  }
0x54: {  	s15 =	sadd.s32 $0x1, s15  }
0x55: {  	[sflag:s12] =	ssyncadd.s32 $0xFFFFFF80;
	p0 =	sne.s32 s15, s7  }
.Ltmp2:
0x56: {  	[bflag:$0x0] =	sbarrier.arrive $0xFFFF;
	(pc) =	sbr.rel @p0 .LBB2_1-.Ltmp2, $4  }
0x57: {  	[hbm:s6], [sflag:s13] =	dma.local [spmem:s14], $0x50  }
0x58: {  	_ =	swait.ge [sflag:s8], $0x50  }
0x59: {  	[sflag:s8] =	ssyncset.done $0x0  }
0x5a: {  	[sflag:s8] =	ssyncadd.s32 $0xFFFFFFB0  }
0x5b: {  	_ =	sfence.sel $0x180000  }
0x5c: {  	[bflag:$0x0] =	sbarrier.arrive $0xFFFF  }
0x5d: {  	p0 =	sne.s32 s1, $0x0;
	_ =	strace $0x90000047  }
0x5e: {  	s0 =	sadd.s32 @!p0 $0x100000, s0;
	[bflag:$0x2] =	sbarrier.arrive $0xFFFF  }
0x5f: {  	[sflag:s0] =	ssyncadd.tile.s32 @!p0 $0x1;
	_ =	shalt  }
.Lfunc_end2:
_tile_overlayer_lowered:
.L_overlay_start_2:
0x60: {  	(tag) =	ssettag $0x2  }
0x61: {  	s0 =	rddreg [dreg:$0x0];
	s2 =	stileid.u32  }
0x62: {  	s1 =	rddreg [dreg:$0x1];
	p0 =	sne.s32 s2, $0x0  }
0x63: {  	s3 =	rddreg [dreg:$0x2];
	[bflag:$0x3] =	sbarrier.arrive $0xFFFF;
	s2 =	simm.s32 @!p0 $0x1C02  }
0x64: {  	[timem:s3], [sflag:s2] =	dma.local @!p0 [hbm:s0], s1  }
0x65: {  	s0 =	simm.s32 @!p0 $0x2  }
0x66: {  	_ =	swait.ge @!p0 [sflag:s0], s1  }
0x67: {  	s1 =	ssub.s32 @!p0 $0x0, s1;
	[sflag:s0] =	ssyncset.done @!p0 $0x0  }
0x68: {  	[sflag:s0] =	ssyncadd.s32 @!p0 s1  }
0x69: {  	[bflag:$0x3] =	sbarrier.arrive $0xFFFF  }
0x6a: {  	_ =	shalt  }

</sc_bundles>
